<compile_context>
chip_gen: v7x
topology: tpu7x:2x2x1
jax: 0.10.2.dev20260603
libtpu: 0.0.44.dev20260713+nightly
codegen_flags: <defaults>
</compile_context>

<pallas_src>
import functools

import jax
import jax.numpy as jnp
from jax import lax
from jax.experimental import pallas as pl
from jax.experimental.pallas import tpu as pltpu
from jax.experimental.pallas import tpu_sc as plsc

NC = 2
NS = 16

N_NODES = 10000
F_DIM = 128
FH = F_DIM // NC
CHUNK = 80
SEC = 10
ACC_ROWS = 10112
STRIPE = ACC_ROWS // NS
H2_STRIPE = N_NODES // NS
TRASH = N_NODES
HIST_W = 8

_mesh = plsc.VectorSubcoreMesh(core_axis_name="c", subcore_axis_name="s")
_untiled = pltpu.CompilerParams(use_tc_tiling_on_sc=False)


def _sc_hist(ei2, ones_h, zeros_h, kch):
    hk = kch // 2

    @functools.partial(
        pl.kernel,
        out_type=jax.ShapeDtypeStruct((ACC_ROWS, F_DIM), jnp.float32),
        mesh=_mesh,
        compiler_params=_untiled,
        scratch_types=[
            pltpu.VMEM((hk, CHUNK), jnp.int32),
            pltpu.VMEM((CHUNK, HIST_W), jnp.float32),
            pltpu.VMEM_SHARED((ACC_ROWS, HIST_W), jnp.float32),
            pltpu.SemaphoreType.DMA,
        ],
    )
    def hist(ei_h, one_h, zer_h, degp_h, dst_v, one_v, deg_s, hsem):
        c = lax.axis_index("c")
        s = lax.axis_index("s")
        pltpu.sync_copy(ei_h.at[1, s, pl.ds(c * hk, hk)], dst_v)
        pltpu.sync_copy(one_h, one_v)
        pltpu.sync_copy(zer_h, deg_s.at[pl.ds(s * STRIPE, STRIPE)])
        plsc.subcore_barrier()

        pltpu.async_copy(one_v, deg_s.at[dst_v.at[0]], hsem, add=True)

        def body(j, carry):
            pltpu.async_copy(one_v, deg_s.at[dst_v.at[j]], hsem, add=True)
            pltpu.make_async_copy(one_v, deg_s.at[dst_v.at[0]], hsem).wait()
            return carry

        lax.fori_loop(1, hk, body, 0)
        pltpu.make_async_copy(one_v, deg_s.at[dst_v.at[0]], hsem).wait()
        plsc.subcore_barrier()
        pltpu.sync_copy(
            deg_s.at[pl.ds(s * STRIPE, STRIPE)],
            degp_h.at[pl.ds(s * STRIPE, STRIPE), pl.ds(c * HIST_W, HIST_W)],
        )

    return hist(ei2, ones_h, zeros_h)


def _sc_scatter(ei2, h2, zeros_h, kch):
    nsec = kch // SEC
    pairs = SEC // 2

    @functools.partial(
        pl.kernel,
        out_type=jax.ShapeDtypeStruct((ACC_ROWS, F_DIM), jnp.float32),
        mesh=_mesh,
        compiler_params=_untiled,
        scratch_types=[
            pltpu.VMEM((kch, CHUNK), jnp.int32),
            pltpu.VMEM((2, SEC, CHUNK), jnp.int32),
            pltpu.VMEM((CHUNK, FH), jnp.float32),
            pltpu.VMEM((CHUNK, FH), jnp.float32),
            pltpu.VMEM_SHARED((N_NODES, FH), jnp.float32),
            pltpu.VMEM_SHARED((ACC_ROWS, FH), jnp.float32),
            pltpu.SemaphoreType.DMA,
            pltpu.SemaphoreType.DMA,
            pltpu.SemaphoreType.DMA,
        ],
    )
    def scat(ei_h, h2_h, zer_h, accp_h,
             src_v, dst_sec, buf0, buf1, h2_s, acc_s, sem0, sem1, dsem):
        c = lax.axis_index("c")
        s = lax.axis_index("s")
        pltpu.sync_copy(
            h2_h.at[pl.ds(s * H2_STRIPE, H2_STRIPE), pl.ds(c * FH, FH)],
            h2_s.at[pl.ds(s * H2_STRIPE, H2_STRIPE)])
        pltpu.sync_copy(ei_h.at[0, s], src_v)
        pltpu.async_copy(ei_h.at[1, s, pl.ds(0, SEC)], dst_sec.at[0], dsem)
        pltpu.sync_copy(zer_h, acc_s.at[pl.ds(s * STRIPE, STRIPE)])
        plsc.subcore_barrier()
        pltpu.make_async_copy(
            ei_h.at[1, s, pl.ds(0, SEC)], dst_sec.at[0], dsem).wait()

        pltpu.async_copy(h2_s.at[src_v.at[0]], buf0, sem0)

        def outer(sec, carry):
            p = sec % 2
            sn = jnp.where(sec + 1 < nsec, sec + 1, 0)
            pltpu.async_copy(
                ei_h.at[1, s, pl.ds(sn * SEC, SEC)], dst_sec.at[1 - p], dsem)

            def inner(i, icarry):
                j0 = sec * SEC + 2 * i
                j1 = j0 + 1
                pltpu.async_copy(h2_s.at[src_v.at[j1]], buf1, sem1)
                pltpu.make_async_copy(h2_s.at[src_v.at[0]], buf0, sem0).wait()
                pltpu.sync_copy(buf0, acc_s.at[dst_sec.at[p, 2 * i]], add=True)
                jn = jnp.where(j0 + 2 < kch, j0 + 2, 0)
                pltpu.async_copy(h2_s.at[src_v.at[jn]], buf0, sem0)
                pltpu.make_async_copy(h2_s.at[src_v.at[0]], buf1, sem1).wait()
                pltpu.sync_copy(
                    buf1, acc_s.at[dst_sec.at[p, 2 * i + 1]], add=True)
                return icarry

            lax.fori_loop(0, pairs, inner, carry)
            pltpu.make_async_copy(
                ei_h.at[1, s, pl.ds(sn * SEC, SEC)], dst_sec.at[1 - p],
                dsem).wait()
            return carry

        lax.fori_loop(0, nsec, outer, 0)
        pltpu.make_async_copy(h2_s.at[src_v.at[0]], buf0, sem0).wait()
        plsc.subcore_barrier()
        pltpu.sync_copy(
            acc_s.at[pl.ds(s * STRIPE, STRIPE)],
            accp_h.at[pl.ds(s * STRIPE, STRIPE), pl.ds(c * FH, FH)],
        )

    return scat(ei2, h2, zeros_h)


def _tc_matmul(x, W):
    blk = 1000
    grid = N_NODES // blk

    def body(x_ref, w_ref, o_ref):
        o_ref[...] = jnp.dot(
            x_ref[...], w_ref[...], preferred_element_type=jnp.float32)

    return pl.pallas_call(
        body,
        grid=(grid,),
        in_specs=[
            pl.BlockSpec((blk, F_DIM), lambda i: (i, 0)),
            pl.BlockSpec((F_DIM, F_DIM), lambda i: (0, 0)),
        ],
        out_specs=pl.BlockSpec((blk, F_DIM), lambda i: (i, 0)),
        out_shape=jax.ShapeDtypeStruct((N_NODES, F_DIM), jnp.float32),
    )(x, W)


def _tc_scale(h, degp):
    blk = 1000
    grid = N_NODES // blk

    def body(h_ref, d_ref, o_ref):
        deg = d_ref[:, 0:1] + d_ref[:, HIST_W:HIST_W + 1] + 1.0
        o_ref[...] = h_ref[...] * lax.rsqrt(deg)

    return pl.pallas_call(
        body,
        grid=(grid,),
        in_specs=[
            pl.BlockSpec((blk, F_DIM), lambda i: (i, 0)),
            pl.BlockSpec((blk, F_DIM), lambda i: (i, 0)),
        ],
        out_specs=pl.BlockSpec((blk, F_DIM), lambda i: (i, 0)),
        out_shape=jax.ShapeDtypeStruct((N_NODES, F_DIM), jnp.float32),
    )(h, degp)


def _tc_final(acc, h2, degp, b2):
    blk = 1000
    grid = N_NODES // blk

    def body(a_ref, h2_ref, d_ref, b_ref, o_ref):
        deg = d_ref[:, 0:1] + d_ref[:, HIST_W:HIST_W + 1] + 1.0
        dinv = lax.rsqrt(deg)
        o_ref[...] = dinv * (a_ref[...] + h2_ref[...]) + b_ref[...]

    return pl.pallas_call(
        body,
        grid=(grid,),
        in_specs=[
            pl.BlockSpec((blk, F_DIM), lambda i: (i, 0)),
            pl.BlockSpec((blk, F_DIM), lambda i: (i, 0)),
            pl.BlockSpec((blk, F_DIM), lambda i: (i, 0)),
            pl.BlockSpec((1, F_DIM), lambda i: (0, 0)),
        ],
        out_specs=pl.BlockSpec((blk, F_DIM), lambda i: (i, 0)),
        out_shape=jax.ShapeDtypeStruct((N_NODES, F_DIM), jnp.float32),
    )(acc, h2, degp, b2)


def kernel(x, edge_index, W, b):
    ei = edge_index.astype(jnp.int32)
    e = ei.shape[1]

    epw = -(-e // NS)
    kch = -(-epw // CHUNK)
    kch = -(-kch // SEC) * SEC
    pad = NS * kch * CHUNK - e
    if pad:
        fill = jnp.stack([jnp.zeros((pad,), jnp.int32),
                          jnp.full((pad,), TRASH, jnp.int32)])
        ei = jnp.concatenate([ei, fill], axis=1)
    ei2 = ei.reshape(2, NS, kch, CHUNK)

    ones_h = jnp.ones((CHUNK, HIST_W), jnp.float32)
    zeros_hist = jnp.zeros((STRIPE, HIST_W), jnp.float32)
    zeros_acc = jnp.zeros((STRIPE, FH), jnp.float32)

    h = _tc_matmul(x, W)
    degp = _sc_hist(ei2, ones_h, zeros_hist, kch)
    h2 = _tc_scale(h, degp)
    acc = _sc_scatter(ei2, h2, zeros_acc, kch)
    return _tc_final(acc, h2, degp, b.reshape(1, F_DIM))

# --- scband reference (transcript-rebuilt; emitter-appended) ---
"""Pipeline reference for scband-gcn-net-1-layer-75496935129210 (READ-ONLY COPY).

The authoritative reference and input builder live on the scoring server;
editing this copy changes nothing except your own understanding.
"""

import jax, jax.numpy as jnp
import numpy as np

N = 10000
E = 320000
F_IN = 128
F_OUT = 128


def setup_inputs(seed: int = 0) -> dict:
    key = jax.random.key(seed)
    k1, k2, k3, k4 = jax.random.split(key, 4)
    x = jax.random.normal(k1, (N, F_IN), dtype=jnp.float32)
    edge_index = jax.random.randint(k2, (2, E), 0, N)
    # GCNConv learned parameters (Glorot-style init for weight, zero-ish bias)
    W = jax.random.normal(k3, (F_IN, F_OUT), dtype=jnp.float32) * (1.0 / np.sqrt(F_IN))
    b = jax.random.normal(k4, (F_OUT,), dtype=jnp.float32) * 0.01
    return {"x": x, "edge_index": edge_index, "W": W, "b": b}


def reference(x, edge_index, W, b):
    # Faithful GCNConv (PyG defaults): add self-loops, symmetric normalization,
    # linear transform, scatter-add aggregation at destination nodes, bias.
    n = x.shape[0]
    src = edge_index[0]
    dst = edge_index[1]
    loop = jnp.arange(n, dtype=src.dtype)
    src = jnp.concatenate([src, loop], axis=0)
    dst = jnp.concatenate([dst, loop], axis=0)
    # degree computed on destination nodes (flow: source_to_target)
    deg = jax.ops.segment_sum(jnp.ones_like(src, dtype=x.dtype), dst, num_segments=n)
    deg_inv_sqrt = jnp.where(deg > 0, jax.lax.rsqrt(jnp.maximum(deg, 1e-12)), 0.0)
    norm = deg_inv_sqrt[src] * deg_inv_sqrt[dst]
    h = x @ W
    msg = h[src] * norm[:, None]
    out = jax.ops.segment_sum(msg, dst, num_segments=n)
    out = out + b
    return out

if __name__ == "__main__":
    import jax
    _d = setup_inputs()
    print(jax.jit(kernel)(*tuple(_d.values())))

</pallas_src>

<mosaic_0001>
#map = affine_map<(d0, d1) -> (0, 0, 0, 0)>
#map1 = affine_map<(d0, d1) -> (0, 0)>
module attributes {stable_mosaic.version = 14 : i64} {
  func.func @scat(%arg0: i32, %arg1: i32, %arg2: memref<2x16x250x80xi32, #tpu.memory_space<hbm>>, %arg3: memref<10000x128xf32, #tpu.memory_space<hbm>>, %arg4: memref<632x64xf32, #tpu.memory_space<hbm>>, %arg5: memref<10112x128xf32, #tpu.memory_space<hbm>>, %arg6: memref<250x80xi32, #tpu.memory_space<vmem>>, %arg7: memref<2x10x80xi32, #tpu.memory_space<vmem>>, %arg8: memref<80x64xf32, #tpu.memory_space<vmem>>, %arg9: memref<80x64xf32, #tpu.memory_space<vmem>>, %arg10: memref<10000x64xf32, #tpu.memory_space<vmem_shared>>, %arg11: memref<10112x64xf32, #tpu.memory_space<vmem_shared>>, %arg12: memref<!tpu.dma_semaphore, #tpu.memory_space<semaphore_mem>>, %arg13: memref<!tpu.dma_semaphore, #tpu.memory_space<semaphore_mem>>, %arg14: memref<!tpu.dma_semaphore, #tpu.memory_space<semaphore_mem>>) attributes {dimension_semantics = [#tpu.dimension_semantics<core_parallel>, #tpu.dimension_semantics<subcore_parallel>], iteration_bounds = array<i64: 2, 16>, scalar_prefetch = 0 : i64, scratch_operands = 9 : i64, tpu.core_type = #tpu.core_type<sc_vector_subcore>, window_params = [{transform_indices = #map}, {transform_indices = #map1}, {transform_indices = #map1}, {transform_indices = #map1}]} {
    %mul3A = arith.constant 625 : i32
    %mul3A_0 = arith.muli %arg1, %mul3A : i32
    %mul3A_1 = arith.constant 64 : i32
    %mul3A_2 = arith.muli %arg0, %mul3A_1 : i32
    %mul3A_3 = arith.constant 625 : i32
    %mul3A_4 = arith.muli %arg1, %mul3A_3 : i32
    "tpu.region"() ({
      %run_scoped3A_67 = tpu.sem_alloc : memref<!tpu.dma_semaphore, #tpu.memory_space<semaphore_mem>>
      %dma_start3A_68 = arith.constant 0 : i32
      %dma_start3A_69 = tpu.memref_slice %arg10[%mul3A_4, %dma_start3A_68] : memref<10000x64xf32, #tpu.memory_space<vmem_shared>> -> memref<625x64xf32, #tpu.memory_space<vmem_shared>>
      %dma_start3A_70 = tpu.memref_slice %arg3[%mul3A_0, %mul3A_2] : memref<10000x128xf32, #tpu.memory_space<hbm>> -> memref<625x64xf32, #tpu.memory_space<hbm>>
      tpu.enqueue_dma source(%dma_start3A_70 : memref<625x64xf32, #tpu.memory_space<hbm>>) target(%dma_start3A_69 : memref<625x64xf32, #tpu.memory_space<vmem_shared>>) target_semaphore(%run_scoped3A_67 : memref<!tpu.dma_semaphore, #tpu.memory_space<semaphore_mem>>)
      %dma_wait3A_71 = arith.constant 0 : i32
      %dma_wait3A_72 = tpu.memref_slice %arg10[%mul3A_4, %dma_wait3A_71] : memref<10000x64xf32, #tpu.memory_space<vmem_shared>> -> memref<625x64xf32, #tpu.memory_space<vmem_shared>>
      %dma_wait3A_73 = tpu.memref_slice %arg3[%mul3A_0, %mul3A_2] : memref<10000x128xf32, #tpu.memory_space<hbm>> -> memref<625x64xf32, #tpu.memory_space<hbm>>
      tpu.wait_dma2 semaphore(%run_scoped3A_67 : memref<!tpu.dma_semaphore, #tpu.memory_space<semaphore_mem>>) src(%dma_wait3A_73 : memref<625x64xf32, #tpu.memory_space<hbm>>) dst(%dma_wait3A_72 : memref<625x64xf32, #tpu.memory_space<vmem_shared>>)
      tpu.yield
    }) : () -> ()
    %run_scoped3A = arith.constant 0 : i32
    "tpu.region"() ({
      %run_scoped3A_67 = tpu.sem_alloc : memref<!tpu.dma_semaphore, #tpu.memory_space<semaphore_mem>>
      %dma_start3A_68 = arith.constant 0 : i32
      %dma_start3A_69 = arith.constant 0 : i32
      %dma_start3A_70 = tpu.memref_slice %arg2[%run_scoped3A, %arg1, %dma_start3A_68, %dma_start3A_69] : memref<2x16x250x80xi32, #tpu.memory_space<hbm>> -> memref<1x1x250x80xi32, #tpu.memory_space<hbm>>
      %dma_start3A_71 = tpu.memref_squeeze %dma_start3A_70 : memref<1x1x250x80xi32, #tpu.memory_space<hbm>> -> memref<250x80xi32, #tpu.memory_space<hbm>>
      %dma_start3A_72 = arith.constant 0 : i32
      %dma_start3A_73 = arith.constant 0 : i32
      %dma_start3A_74 = tpu.memref_slice %arg2[%run_scoped3A, %arg1, %dma_start3A_72, %dma_start3A_73] : memref<2x16x250x80xi32, #tpu.memory_space<hbm>> -> memref<1x1x250x80xi32, #tpu.memory_space<hbm>>
      %dma_start3A_75 = tpu.memref_squeeze %dma_start3A_74 : memref<1x1x250x80xi32, #tpu.memory_space<hbm>> -> memref<250x80xi32, #tpu.memory_space<hbm>>
      tpu.enqueue_dma source(%dma_start3A_75 : memref<250x80xi32, #tpu.memory_space<hbm>>) target(%arg6 : memref<250x80xi32, #tpu.memory_space<vmem>>) target_semaphore(%run_scoped3A_67 : memref<!tpu.dma_semaphore, #tpu.memory_space<semaphore_mem>>)
      %dma_wait3A_76 = arith.constant 0 : i32
      %dma_wait3A_77 = arith.constant 0 : i32
      %dma_wait3A_78 = tpu.memref_slice %arg2[%run_scoped3A, %arg1, %dma_wait3A_76, %dma_wait3A_77] : memref<2x16x250x80xi32, #tpu.memory_space<hbm>> -> memref<1x1x250x80xi32, #tpu.memory_space<hbm>>
      %dma_wait3A_79 = tpu.memref_squeeze %dma_wait3A_78 : memref<1x1x250x80xi32, #tpu.memory_space<hbm>> -> memref<250x80xi32, #tpu.memory_space<hbm>>
      %dma_wait3A_80 = arith.constant 0 : i32
      %dma_wait3A_81 = arith.constant 0 : i32
      %dma_wait3A_82 = tpu.memref_slice %arg2[%run_scoped3A, %arg1, %dma_wait3A_80, %dma_wait3A_81] : memref<2x16x250x80xi32, #tpu.memory_space<hbm>> -> memref<1x1x250x80xi32, #tpu.memory_space<hbm>>
      %dma_wait3A_83 = tpu.memref_squeeze %dma_wait3A_82 : memref<1x1x250x80xi32, #tpu.memory_space<hbm>> -> memref<250x80xi32, #tpu.memory_space<hbm>>
      tpu.wait_dma2 semaphore(%run_scoped3A_67 : memref<!tpu.dma_semaphore, #tpu.memory_space<semaphore_mem>>) src(%dma_wait3A_83 : memref<250x80xi32, #tpu.memory_space<hbm>>) dst(%arg6 : memref<250x80xi32, #tpu.memory_space<vmem>>)
      tpu.yield
    }) : () -> ()
    %dma_start3A = arith.constant 1 : i32
    %dma_start3A_5 = arith.constant 0 : i32
    %dma_start3A_6 = arith.constant 0 : i32
    %dma_start3A_7 = arith.constant 0 : i32
    %dma_start3A_8 = tpu.memref_slice %arg7[%dma_start3A_5, %dma_start3A_6, %dma_start3A_7] : memref<2x10x80xi32, #tpu.memory_space<vmem>> -> memref<1x10x80xi32, #tpu.memory_space<vmem>>
    %dma_start3A_9 = tpu.memref_squeeze %dma_start3A_8 : memref<1x10x80xi32, #tpu.memory_space<vmem>> -> memref<10x80xi32, #tpu.memory_space<vmem>>
    %dma_start3A_10 = arith.constant 0 : i32
    %dma_start3A_11 = arith.constant 0 : i32
    %dma_start3A_12 = tpu.memref_slice %arg2[%dma_start3A, %arg1, %dma_start3A_10, %dma_start3A_11] : memref<2x16x250x80xi32, #tpu.memory_space<hbm>> -> memref<1x1x10x80xi32, #tpu.memory_space<hbm>>
    %dma_start3A_13 = tpu.memref_squeeze %dma_start3A_12 : memref<1x1x10x80xi32, #tpu.memory_space<hbm>> -> memref<10x80xi32, #tpu.memory_space<hbm>>
    %dma_start3A_14 = arith.constant 0 : i32
    %dma_start3A_15 = arith.constant 0 : i32
    %dma_start3A_16 = tpu.memref_slice %arg7[%dma_start3A_5, %dma_start3A_14, %dma_start3A_15] : memref<2x10x80xi32, #tpu.memory_space<vmem>> -> memref<1x10x80xi32, #tpu.memory_space<vmem>>
    %dma_start3A_17 = tpu.memref_squeeze %dma_start3A_16 : memref<1x10x80xi32, #tpu.memory_space<vmem>> -> memref<10x80xi32, #tpu.memory_space<vmem>>
    %dma_start3A_18 = arith.constant 0 : i32
    %dma_start3A_19 = arith.constant 0 : i32
    %dma_start3A_20 = tpu.memref_slice %arg2[%dma_start3A, %arg1, %dma_start3A_18, %dma_start3A_19] : memref<2x16x250x80xi32, #tpu.memory_space<hbm>> -> memref<1x1x10x80xi32, #tpu.memory_space<hbm>>
    %dma_start3A_21 = tpu.memref_squeeze %dma_start3A_20 : memref<1x1x10x80xi32, #tpu.memory_space<hbm>> -> memref<10x80xi32, #tpu.memory_space<hbm>>
    tpu.enqueue_dma source(%dma_start3A_21 : memref<10x80xi32, #tpu.memory_space<hbm>>) target(%dma_start3A_17 : memref<10x80xi32, #tpu.memory_space<vmem>>) target_semaphore(%arg14 : memref<!tpu.dma_semaphore, #tpu.memory_space<semaphore_mem>>)
    %mul3A_22 = arith.constant 632 : i32
    %mul3A_23 = arith.muli %arg1, %mul3A_22 : i32
    "tpu.region"() ({
      %run_scoped3A_67 = tpu.sem_alloc : memref<!tpu.dma_semaphore, #tpu.memory_space<semaphore_mem>>
      %dma_start3A_68 = arith.constant 0 : i32
      %dma_start3A_69 = tpu.memref_slice %arg11[%mul3A_23, %dma_start3A_68] : memref<10112x64xf32, #tpu.memory_space<vmem_shared>> -> memref<632x64xf32, #tpu.memory_space<vmem_shared>>
      tpu.enqueue_dma source(%arg4 : memref<632x64xf32, #tpu.memory_space<hbm>>) target(%dma_start3A_69 : memref<632x64xf32, #tpu.memory_space<vmem_shared>>) target_semaphore(%run_scoped3A_67 : memref<!tpu.dma_semaphore, #tpu.memory_space<semaphore_mem>>)
      %dma_wait3A_70 = arith.constant 0 : i32
      %dma_wait3A_71 = tpu.memref_slice %arg11[%mul3A_23, %dma_wait3A_70] : memref<10112x64xf32, #tpu.memory_space<vmem_shared>> -> memref<632x64xf32, #tpu.memory_space<vmem_shared>>
      tpu.wait_dma2 semaphore(%run_scoped3A_67 : memref<!tpu.dma_semaphore, #tpu.memory_space<semaphore_mem>>) src(%arg4 : memref<632x64xf32, #tpu.memory_space<hbm>>) dst(%dma_wait3A_71 : memref<632x64xf32, #tpu.memory_space<vmem_shared>>)
      tpu.yield
    }) : () -> ()
    %barrier3A = arith.constant 0 : index
    tpu.barrier barrier_id(%barrier3A)
    %dma_wait3A = arith.constant 1 : i32
    %dma_wait3A_24 = arith.constant 0 : i32
    %dma_wait3A_25 = arith.constant 0 : i32
    %dma_wait3A_26 = arith.constant 0 : i32
    %dma_wait3A_27 = tpu.memref_slice %arg7[%dma_wait3A_24, %dma_wait3A_25, %dma_wait3A_26] : memref<2x10x80xi32, #tpu.memory_space<vmem>> -> memref<1x10x80xi32, #tpu.memory_space<vmem>>
    %dma_wait3A_28 = tpu.memref_squeeze %dma_wait3A_27 : memref<1x10x80xi32, #tpu.memory_space<vmem>> -> memref<10x80xi32, #tpu.memory_space<vmem>>
    %dma_wait3A_29 = arith.constant 0 : i32
    %dma_wait3A_30 = arith.constant 0 : i32
    %dma_wait3A_31 = tpu.memref_slice %arg2[%dma_wait3A, %arg1, %dma_wait3A_29, %dma_wait3A_30] : memref<2x16x250x80xi32, #tpu.memory_space<hbm>> -> memref<1x1x10x80xi32, #tpu.memory_space<hbm>>
    %dma_wait3A_32 = tpu.memref_squeeze %dma_wait3A_31 : memref<1x1x10x80xi32, #tpu.memory_space<hbm>> -> memref<10x80xi32, #tpu.memory_space<hbm>>
    %dma_wait3A_33 = arith.constant 0 : i32
    %dma_wait3A_34 = arith.constant 0 : i32
    %dma_wait3A_35 = tpu.memref_slice %arg7[%dma_wait3A_24, %dma_wait3A_33, %dma_wait3A_34] : memref<2x10x80xi32, #tpu.memory_space<vmem>> -> memref<1x10x80xi32, #tpu.memory_space<vmem>>
    %dma_wait3A_36 = tpu.memref_squeeze %dma_wait3A_35 : memref<1x10x80xi32, #tpu.memory_space<vmem>> -> memref<10x80xi32, #tpu.memory_space<vmem>>
    %dma_wait3A_37 = arith.constant 0 : i32
    %dma_wait3A_38 = arith.constant 0 : i32
    %dma_wait3A_39 = tpu.memref_slice %arg2[%dma_wait3A, %arg1, %dma_wait3A_37, %dma_wait3A_38] : memref<2x16x250x80xi32, #tpu.memory_space<hbm>> -> memref<1x1x10x80xi32, #tpu.memory_space<hbm>>
    %dma_wait3A_40 = tpu.memref_squeeze %dma_wait3A_39 : memref<1x1x10x80xi32, #tpu.memory_space<hbm>> -> memref<10x80xi32, #tpu.memory_space<hbm>>
    tpu.wait_dma2 semaphore(%arg14 : memref<!tpu.dma_semaphore, #tpu.memory_space<semaphore_mem>>) src(%dma_wait3A_40 : memref<10x80xi32, #tpu.memory_space<hbm>>) dst(%dma_wait3A_36 : memref<10x80xi32, #tpu.memory_space<vmem>>)
    %dma_start3A_41 = arith.constant 0 : i32
    %dma_start3A_42 = arith.constant 0 : i32
    %dma_start3A_43 = tpu.memref_slice %arg6[%dma_start3A_41, %dma_start3A_42] : memref<250x80xi32, #tpu.memory_space<vmem>> -> memref<1x80xi32, #tpu.memory_space<vmem>>
    %dma_start3A_44 = tpu.memref_squeeze %dma_start3A_43 : memref<1x80xi32, #tpu.memory_space<vmem>> -> memref<80xi32, #tpu.memory_space<vmem>>
    %dma_start3A_45 = arith.constant 0 : i32
    %dma_start3A_46 = arith.constant 0 : i32
    %dma_start3A_47 = tpu.memref_slice %arg10[%dma_start3A_45, %dma_start3A_46] : memref<10000x64xf32, #tpu.memory_space<vmem_shared>> -> memref<10000x64xf32, #tpu.memory_space<vmem_shared>>
    tpu.enqueue_indirect_dma source(%dma_start3A_47 : memref<10000x64xf32, #tpu.memory_space<vmem_shared>>) target(%arg8 : memref<80x64xf32, #tpu.memory_space<vmem>>) offsets(%dma_start3A_44 : memref<80xi32, #tpu.memory_space<vmem>>) semaphore(%arg12 : memref<!tpu.dma_semaphore, #tpu.memory_space<semaphore_mem>>)
    %scan3A = arith.constant 0 : i32
    %scan3A_48 = arith.constant 0 : i32
    %scan3A_49 = arith.constant 25 : i32
    %scan3A_50 = arith.addi %scan3A_48, %scan3A_49 : i32
    %scan3A_51 = arith.constant 1 : i32
    scf.for %scan3A_67 = %scan3A_48 to %scan3A_50 step %scan3A_51  : i32 {
      %jit3A = arith.constant 2 : i32
      %eq3A = arith.constant 0 : i32
      %eq3A_68 = arith.cmpi eq, %jit3A, %eq3A : i32
      %jit3A_69 = arith.constant 1 : i32
      %select_n3A = arith.select %eq3A_68, %jit3A_69, %jit3A : i32
      %rem3A = arith.remsi %scan3A_67, %select_n3A : i32
      %ne3A = arith.constant 0 : i32
      %ne3A_70 = arith.cmpi ne, %rem3A, %ne3A : i32
      %lt3A = arith.constant 0 : i32
      %lt3A_71 = arith.cmpi slt, %rem3A, %lt3A : i32
      %lt3A_72 = arith.constant 0 : i32
      %lt3A_73 = arith.cmpi slt, %select_n3A, %lt3A_72 : i32
      %ne3A_74 = arith.xori %lt3A_71, %lt3A_73 : i1
      %and3A = arith.andi %ne3A_74, %ne3A_70 : i1
      %add3A = arith.addi %rem3A, %select_n3A : i32
      %select_n3A_75 = arith.select %and3A, %add3A, %rem3A : i32
      %add3A_76 = arith.constant 1 : i32
      %add3A_77 = arith.addi %scan3A_67, %add3A_76 : i32
      %lt3A_78 = arith.constant 25 : i32
      %lt3A_79 = arith.cmpi slt, %add3A_77, %lt3A_78 : i32
      %add3A_80 = arith.constant 1 : i32
      %add3A_81 = arith.addi %scan3A_67, %add3A_80 : i32
      %jit3A_82 = arith.constant 0 : i32
      %select_n3A_83 = arith.select %lt3A_79, %add3A_81, %jit3A_82 : i32
      %mul3A_84 = arith.constant 10 : i32
      %mul3A_85 = arith.muli %select_n3A_83, %mul3A_84 : i32
      %sub3A = arith.constant 1 : i32
      %sub3A_86 = arith.subi %sub3A, %select_n3A_75 : i32
      %dma_start3A_87 = arith.constant 1 : i32
      %dma_start3A_88 = arith.constant 0 : i32
      %dma_start3A_89 = arith.constant 0 : i32
      %dma_start3A_90 = tpu.memref_slice %arg7[%sub3A_86, %dma_start3A_88, %dma_start3A_89] : memref<2x10x80xi32, #tpu.memory_space<vmem>> -> memref<1x10x80xi32, #tpu.memory_space<vmem>>
      %dma_start3A_91 = tpu.memref_squeeze %dma_start3A_90 : memref<1x10x80xi32, #tpu.memory_space<vmem>> -> memref<10x80xi32, #tpu.memory_space<vmem>>
      %dma_start3A_92 = arith.constant 0 : i32
      %dma_start3A_93 = tpu.memref_slice %arg2[%dma_start3A_87, %arg1, %mul3A_85, %dma_start3A_92] : memref<2x16x250x80xi32, #tpu.memory_space<hbm>> -> memref<1x1x10x80xi32, #tpu.memory_space<hbm>>
      %dma_start3A_94 = tpu.memref_squeeze %dma_start3A_93 : memref<1x1x10x80xi32, #tpu.memory_space<hbm>> -> memref<10x80xi32, #tpu.memory_space<hbm>>
      %dma_start3A_95 = arith.constant 0 : i32
      %dma_start3A_96 = arith.constant 0 : i32
      %dma_start3A_97 = tpu.memref_slice %arg7[%sub3A_86, %dma_start3A_95, %dma_start3A_96] : memref<2x10x80xi32, #tpu.memory_space<vmem>> -> memref<1x10x80xi32, #tpu.memory_space<vmem>>
      %dma_start3A_98 = tpu.memref_squeeze %dma_start3A_97 : memref<1x10x80xi32, #tpu.memory_space<vmem>> -> memref<10x80xi32, #tpu.memory_space<vmem>>
      %dma_start3A_99 = arith.constant 0 : i32
      %dma_start3A_100 = tpu.memref_slice %arg2[%dma_start3A_87, %arg1, %mul3A_85, %dma_start3A_99] : memref<2x16x250x80xi32, #tpu.memory_space<hbm>> -> memref<1x1x10x80xi32, #tpu.memory_space<hbm>>
      %dma_start3A_101 = tpu.memref_squeeze %dma_start3A_100 : memref<1x1x10x80xi32, #tpu.memory_space<hbm>> -> memref<10x80xi32, #tpu.memory_space<hbm>>
      tpu.enqueue_dma source(%dma_start3A_101 : memref<10x80xi32, #tpu.memory_space<hbm>>) target(%dma_start3A_98 : memref<10x80xi32, #tpu.memory_space<vmem>>) target_semaphore(%arg14 : memref<!tpu.dma_semaphore, #tpu.memory_space<semaphore_mem>>)
      %scan3A_102 = arith.constant 0 : i32
      %scan3A_103 = arith.constant 5 : i32
      %scan3A_104 = arith.addi %scan3A_102, %scan3A_103 : i32
      %scan3A_105 = arith.constant 1 : i32
      scf.for %scan3A_126 = %scan3A_102 to %scan3A_104 step %scan3A_105  : i32 {
        %mul3A_127 = arith.constant 10 : i32
        %mul3A_128 = arith.muli %scan3A_67, %mul3A_127 : i32
        %mul3A_129 = arith.constant 2 : i32
        %mul3A_130 = arith.muli %mul3A_129, %scan3A_126 : i32
        %add3A_131 = arith.addi %mul3A_128, %mul3A_130 : i32
        %add3A_132 = arith.constant 1 : i32
        %add3A_133 = arith.addi %add3A_131, %add3A_132 : i32
        %dma_start3A_134 = arith.constant 0 : i32
        %dma_start3A_135 = tpu.memref_slice %arg6[%add3A_133, %dma_start3A_134] : memref<250x80xi32, #tpu.memory_space<vmem>> -> memref<1x80xi32, #tpu.memory_space<vmem>>
        %dma_start3A_136 = tpu.memref_squeeze %dma_start3A_135 : memref<1x80xi32, #tpu.memory_space<vmem>> -> memref<80xi32, #tpu.memory_space<vmem>>
        %dma_start3A_137 = arith.constant 0 : i32
        %dma_start3A_138 = arith.constant 0 : i32
        %dma_start3A_139 = tpu.memref_slice %arg10[%dma_start3A_137, %dma_start3A_138] : memref<10000x64xf32, #tpu.memory_space<vmem_shared>> -> memref<10000x64xf32, #tpu.memory_space<vmem_shared>>
        tpu.enqueue_indirect_dma source(%dma_start3A_139 : memref<10000x64xf32, #tpu.memory_space<vmem_shared>>) target(%arg9 : memref<80x64xf32, #tpu.memory_space<vmem>>) offsets(%dma_start3A_136 : memref<80xi32, #tpu.memory_space<vmem>>) semaphore(%arg13 : memref<!tpu.dma_semaphore, #tpu.memory_space<semaphore_mem>>)
        %dma_wait3A_140 = arith.constant 0 : i32
        %dma_wait3A_141 = arith.constant 0 : i32
        %dma_wait3A_142 = tpu.memref_slice %arg6[%dma_wait3A_140, %dma_wait3A_141] : memref<250x80xi32, #tpu.memory_space<vmem>> -> memref<1x80xi32, #tpu.memory_space<vmem>>
        %dma_wait3A_143 = tpu.memref_squeeze %dma_wait3A_142 : memref<1x80xi32, #tpu.memory_space<vmem>> -> memref<80xi32, #tpu.memory_space<vmem>>
        %dma_wait3A_144 = arith.constant 0 : i32
        %dma_wait3A_145 = arith.constant 0 : i32
        %dma_wait3A_146 = tpu.memref_slice %arg10[%dma_wait3A_144, %dma_wait3A_145] : memref<10000x64xf32, #tpu.memory_space<vmem_shared>> -> memref<10000x64xf32, #tpu.memory_space<vmem_shared>>
        tpu.wait_indirect_dma semaphore(%arg12 : memref<!tpu.dma_semaphore, #tpu.memory_space<semaphore_mem>>) src(%dma_wait3A_146 : memref<10000x64xf32, #tpu.memory_space<vmem_shared>>) dst(%arg8 : memref<80x64xf32, #tpu.memory_space<vmem>>)
        %mul3A_147 = arith.constant 2 : i32
        %mul3A_148 = arith.muli %mul3A_147, %scan3A_126 : i32
        "tpu.region"() ({
          %run_scoped3A_174 = tpu.sem_alloc : memref<!tpu.dma_semaphore, #tpu.memory_space<semaphore_mem>>
          %dma_start3A_175 = arith.constant 0 : i32
          %dma_start3A_176 = tpu.memref_slice %arg7[%select_n3A_75, %mul3A_148, %dma_start3A_175] : memref<2x10x80xi32, #tpu.memory_space<vmem>> -> memref<1x1x80xi32, #tpu.memory_space<vmem>>
          %dma_start3A_177 = tpu.memref_squeeze %dma_start3A_176 : memref<1x1x80xi32, #tpu.memory_space<vmem>> -> memref<80xi32, #tpu.memory_space<vmem>>
          %dma_start3A_178 = arith.constant 0 : i32
          %dma_start3A_179 = arith.constant 0 : i32
          %dma_start3A_180 = tpu.memref_slice %arg11[%dma_start3A_178, %dma_start3A_179] : memref<10112x64xf32, #tpu.memory_space<vmem_shared>> -> memref<10112x64xf32, #tpu.memory_space<vmem_shared>>
          tpu.enqueue_indirect_dma source(%arg8 : memref<80x64xf32, #tpu.memory_space<vmem>>) target(%dma_start3A_180 : memref<10112x64xf32, #tpu.memory_space<vmem_shared>>) offsets(%dma_start3A_177 : memref<80xi32, #tpu.memory_space<vmem>>) semaphore(%run_scoped3A_174 : memref<!tpu.dma_semaphore, #tpu.memory_space<semaphore_mem>>) {add = true}
          %dma_wait3A_181 = arith.constant 0 : i32
          %dma_wait3A_182 = tpu.memref_slice %arg7[%select_n3A_75, %mul3A_148, %dma_wait3A_181] : memref<2x10x80xi32, #tpu.memory_space<vmem>> -> memref<1x1x80xi32, #tpu.memory_space<vmem>>
          %dma_wait3A_183 = tpu.memref_squeeze %dma_wait3A_182 : memref<1x1x80xi32, #tpu.memory_space<vmem>> -> memref<80xi32, #tpu.memory_space<vmem>>
          %dma_wait3A_184 = arith.constant 0 : i32
          %dma_wait3A_185 = arith.constant 0 : i32
          %dma_wait3A_186 = tpu.memref_slice %arg11[%dma_wait3A_184, %dma_wait3A_185] : memref<10112x64xf32, #tpu.memory_space<vmem_shared>> -> memref<10112x64xf32, #tpu.memory_space<vmem_shared>>
          tpu.wait_indirect_dma semaphore(%run_scoped3A_174 : memref<!tpu.dma_semaphore, #tpu.memory_space<semaphore_mem>>) src(%arg8 : memref<80x64xf32, #tpu.memory_space<vmem>>) dst(%dma_wait3A_186 : memref<10112x64xf32, #tpu.memory_space<vmem_shared>>)
          tpu.yield
        }) : () -> ()
        %add3A_149 = arith.constant 2 : i32
        %add3A_150 = arith.addi %add3A_131, %add3A_149 : i32
        %lt3A_151 = arith.constant 250 : i32
        %lt3A_152 = arith.cmpi slt, %add3A_150, %lt3A_151 : i32
        %add3A_153 = arith.constant 2 : i32
        %add3A_154 = arith.addi %add3A_131, %add3A_153 : i32
        %jit3A_155 = arith.constant 0 : i32
        %select_n3A_156 = arith.select %lt3A_152, %add3A_154, %jit3A_155 : i32
        %dma_start3A_157 = arith.constant 0 : i32
        %dma_start3A_158 = tpu.memref_slice %arg6[%select_n3A_156, %dma_start3A_157] : memref<250x80xi32, #tpu.memory_space<vmem>> -> memref<1x80xi32, #tpu.memory_space<vmem>>
        %dma_start3A_159 = tpu.memref_squeeze %dma_start3A_158 : memref<1x80xi32, #tpu.memory_space<vmem>> -> memref<80xi32, #tpu.memory_space<vmem>>
        %dma_start3A_160 = arith.constant 0 : i32
        %dma_start3A_161 = arith.constant 0 : i32
        %dma_start3A_162 = tpu.memref_slice %arg10[%dma_start3A_160, %dma_start3A_161] : memref<10000x64xf32, #tpu.memory_space<vmem_shared>> -> memref<10000x64xf32, #tpu.memory_space<vmem_shared>>
        tpu.enqueue_indirect_dma source(%dma_start3A_162 : memref<10000x64xf32, #tpu.memory_space<vmem_shared>>) target(%arg8 : memref<80x64xf32, #tpu.memory_space<vmem>>) offsets(%dma_start3A_159 : memref<80xi32, #tpu.memory_space<vmem>>) semaphore(%arg12 : memref<!tpu.dma_semaphore, #tpu.memory_space<semaphore_mem>>)
        %dma_wait3A_163 = arith.constant 0 : i32
        %dma_wait3A_164 = arith.constant 0 : i32
        %dma_wait3A_165 = tpu.memref_slice %arg6[%dma_wait3A_163, %dma_wait3A_164] : memref<250x80xi32, #tpu.memory_space<vmem>> -> memref<1x80xi32, #tpu.memory_space<vmem>>
        %dma_wait3A_166 = tpu.memref_squeeze %dma_wait3A_165 : memref<1x80xi32, #tpu.memory_space<vmem>> -> memref<80xi32, #tpu.memory_space<vmem>>
        %dma_wait3A_167 = arith.constant 0 : i32
        %dma_wait3A_168 = arith.constant 0 : i32
        %dma_wait3A_169 = tpu.memref_slice %arg10[%dma_wait3A_167, %dma_wait3A_168] : memref<10000x64xf32, #tpu.memory_space<vmem_shared>> -> memref<10000x64xf32, #tpu.memory_space<vmem_shared>>
        tpu.wait_indirect_dma semaphore(%arg13 : memref<!tpu.dma_semaphore, #tpu.memory_space<semaphore_mem>>) src(%dma_wait3A_169 : memref<10000x64xf32, #tpu.memory_space<vmem_shared>>) dst(%arg9 : memref<80x64xf32, #tpu.memory_space<vmem>>)
        %mul3A_170 = arith.constant 2 : i32
        %mul3A_171 = arith.muli %mul3A_170, %scan3A_126 : i32
        %add3A_172 = arith.constant 1 : i32
        %add3A_173 = arith.addi %mul3A_171, %add3A_172 : i32
        "tpu.region"() ({
          %run_scoped3A_174 = tpu.sem_alloc : memref<!tpu.dma_semaphore, #tpu.memory_space<semaphore_mem>>
          %dma_start3A_175 = arith.constant 0 : i32
          %dma_start3A_176 = tpu.memref_slice %arg7[%select_n3A_75, %add3A_173, %dma_start3A_175] : memref<2x10x80xi32, #tpu.memory_space<vmem>> -> memref<1x1x80xi32, #tpu.memory_space<vmem>>
          %dma_start3A_177 = tpu.memref_squeeze %dma_start3A_176 : memref<1x1x80xi32, #tpu.memory_space<vmem>> -> memref<80xi32, #tpu.memory_space<vmem>>
          %dma_start3A_178 = arith.constant 0 : i32
          %dma_start3A_179 = arith.constant 0 : i32
          %dma_start3A_180 = tpu.memref_slice %arg11[%dma_start3A_178, %dma_start3A_179] : memref<10112x64xf32, #tpu.memory_space<vmem_shared>> -> memref<10112x64xf32, #tpu.memory_space<vmem_shared>>
          tpu.enqueue_indirect_dma source(%arg9 : memref<80x64xf32, #tpu.memory_space<vmem>>) target(%dma_start3A_180 : memref<10112x64xf32, #tpu.memory_space<vmem_shared>>) offsets(%dma_start3A_177 : memref<80xi32, #tpu.memory_space<vmem>>) semaphore(%run_scoped3A_174 : memref<!tpu.dma_semaphore, #tpu.memory_space<semaphore_mem>>) {add = true}
          %dma_wait3A_181 = arith.constant 0 : i32
          %dma_wait3A_182 = tpu.memref_slice %arg7[%select_n3A_75, %add3A_173, %dma_wait3A_181] : memref<2x10x80xi32, #tpu.memory_space<vmem>> -> memref<1x1x80xi32, #tpu.memory_space<vmem>>
          %dma_wait3A_183 = tpu.memref_squeeze %dma_wait3A_182 : memref<1x1x80xi32, #tpu.memory_space<vmem>> -> memref<80xi32, #tpu.memory_space<vmem>>
          %dma_wait3A_184 = arith.constant 0 : i32
          %dma_wait3A_185 = arith.constant 0 : i32
          %dma_wait3A_186 = tpu.memref_slice %arg11[%dma_wait3A_184, %dma_wait3A_185] : memref<10112x64xf32, #tpu.memory_space<vmem_shared>> -> memref<10112x64xf32, #tpu.memory_space<vmem_shared>>
          tpu.wait_indirect_dma semaphore(%run_scoped3A_174 : memref<!tpu.dma_semaphore, #tpu.memory_space<semaphore_mem>>) src(%arg9 : memref<80x64xf32, #tpu.memory_space<vmem>>) dst(%dma_wait3A_186 : memref<10112x64xf32, #tpu.memory_space<vmem_shared>>)
          tpu.yield
        }) : () -> ()
      }
      %scan3A_106 = arith.constant 5 : i32
      %mul3A_107 = arith.constant 10 : i32
      %mul3A_108 = arith.muli %select_n3A_83, %mul3A_107 : i32
      %sub3A_109 = arith.constant 1 : i32
      %sub3A_110 = arith.subi %sub3A_109, %select_n3A_75 : i32
      %dma_wait3A_111 = arith.constant 1 : i32
      %dma_wait3A_112 = arith.constant 0 : i32
      %dma_wait3A_113 = arith.constant 0 : i32
      %dma_wait3A_114 = tpu.memref_slice %arg7[%sub3A_110, %dma_wait3A_112, %dma_wait3A_113] : memref<2x10x80xi32, #tpu.memory_space<vmem>> -> memref<1x10x80xi32, #tpu.memory_space<vmem>>
      %dma_wait3A_115 = tpu.memref_squeeze %dma_wait3A_114 : memref<1x10x80xi32, #tpu.memory_space<vmem>> -> memref<10x80xi32, #tpu.memory_space<vmem>>
      %dma_wait3A_116 = arith.constant 0 : i32
      %dma_wait3A_117 = tpu.memref_slice %arg2[%dma_wait3A_111, %arg1, %mul3A_108, %dma_wait3A_116] : memref<2x16x250x80xi32, #tpu.memory_space<hbm>> -> memref<1x1x10x80xi32, #tpu.memory_space<hbm>>
      %dma_wait3A_118 = tpu.memref_squeeze %dma_wait3A_117 : memref<1x1x10x80xi32, #tpu.memory_space<hbm>> -> memref<10x80xi32, #tpu.memory_space<hbm>>
      %dma_wait3A_119 = arith.constant 0 : i32
      %dma_wait3A_120 = arith.constant 0 : i32
      %dma_wait3A_121 = tpu.memref_slice %arg7[%sub3A_110, %dma_wait3A_119, %dma_wait3A_120] : memref<2x10x80xi32, #tpu.memory_space<vmem>> -> memref<1x10x80xi32, #tpu.memory_space<vmem>>
      %dma_wait3A_122 = tpu.memref_squeeze %dma_wait3A_121 : memref<1x10x80xi32, #tpu.memory_space<vmem>> -> memref<10x80xi32, #tpu.memory_space<vmem>>
      %dma_wait3A_123 = arith.constant 0 : i32
      %dma_wait3A_124 = tpu.memref_slice %arg2[%dma_wait3A_111, %arg1, %mul3A_108, %dma_wait3A_123] : memref<2x16x250x80xi32, #tpu.memory_space<hbm>> -> memref<1x1x10x80xi32, #tpu.memory_space<hbm>>
      %dma_wait3A_125 = tpu.memref_squeeze %dma_wait3A_124 : memref<1x1x10x80xi32, #tpu.memory_space<hbm>> -> memref<10x80xi32, #tpu.memory_space<hbm>>
      tpu.wait_dma2 semaphore(%arg14 : memref<!tpu.dma_semaphore, #tpu.memory_space<semaphore_mem>>) src(%dma_wait3A_125 : memref<10x80xi32, #tpu.memory_space<hbm>>) dst(%dma_wait3A_122 : memref<10x80xi32, #tpu.memory_space<vmem>>)
    }
    %scan3A_52 = arith.constant 25 : i32
    %dma_wait3A_53 = arith.constant 0 : i32
    %dma_wait3A_54 = arith.constant 0 : i32
    %dma_wait3A_55 = tpu.memref_slice %arg6[%dma_wait3A_53, %dma_wait3A_54] : memref<250x80xi32, #tpu.memory_space<vmem>> -> memref<1x80xi32, #tpu.memory_space<vmem>>
    %dma_wait3A_56 = tpu.memref_squeeze %dma_wait3A_55 : memref<1x80xi32, #tpu.memory_space<vmem>> -> memref<80xi32, #tpu.memory_space<vmem>>
    %dma_wait3A_57 = arith.constant 0 : i32
    %dma_wait3A_58 = arith.constant 0 : i32
    %dma_wait3A_59 = tpu.memref_slice %arg10[%dma_wait3A_57, %dma_wait3A_58] : memref<10000x64xf32, #tpu.memory_space<vmem_shared>> -> memref<10000x64xf32, #tpu.memory_space<vmem_shared>>
    tpu.wait_indirect_dma semaphore(%arg12 : memref<!tpu.dma_semaphore, #tpu.memory_space<semaphore_mem>>) src(%dma_wait3A_59 : memref<10000x64xf32, #tpu.memory_space<vmem_shared>>) dst(%arg8 : memref<80x64xf32, #tpu.memory_space<vmem>>)
    %barrier3A_60 = arith.constant 0 : index
    tpu.barrier barrier_id(%barrier3A_60)
    %mul3A_61 = arith.constant 632 : i32
    %mul3A_62 = arith.muli %arg1, %mul3A_61 : i32
    %mul3A_63 = arith.constant 632 : i32
    %mul3A_64 = arith.muli %arg1, %mul3A_63 : i32
    %mul3A_65 = arith.constant 64 : i32
    %mul3A_66 = arith.muli %arg0, %mul3A_65 : i32
    "tpu.region"() ({
      %run_scoped3A_67 = tpu.sem_alloc : memref<!tpu.dma_semaphore, #tpu.memory_space<semaphore_mem>>
      %dma_start3A_68 = tpu.memref_slice %arg5[%mul3A_64, %mul3A_66] : memref<10112x128xf32, #tpu.memory_space<hbm>> -> memref<632x64xf32, #tpu.memory_space<hbm>>
      %dma_start3A_69 = arith.constant 0 : i32
      %dma_start3A_70 = tpu.memref_slice %arg11[%mul3A_62, %dma_start3A_69] : memref<10112x64xf32, #tpu.memory_space<vmem_shared>> -> memref<632x64xf32, #tpu.memory_space<vmem_shared>>
      tpu.enqueue_dma source(%dma_start3A_70 : memref<632x64xf32, #tpu.memory_space<vmem_shared>>) target(%dma_start3A_68 : memref<632x64xf32, #tpu.memory_space<hbm>>) target_semaphore(%run_scoped3A_67 : memref<!tpu.dma_semaphore, #tpu.memory_space<semaphore_mem>>)
      %dma_wait3A_71 = tpu.memref_slice %arg5[%mul3A_64, %mul3A_66] : memref<10112x128xf32, #tpu.memory_space<hbm>> -> memref<632x64xf32, #tpu.memory_space<hbm>>
      %dma_wait3A_72 = arith.constant 0 : i32
      %dma_wait3A_73 = tpu.memref_slice %arg11[%mul3A_62, %dma_wait3A_72] : memref<10112x64xf32, #tpu.memory_space<vmem_shared>> -> memref<632x64xf32, #tpu.memory_space<vmem_shared>>
      tpu.wait_dma2 semaphore(%run_scoped3A_67 : memref<!tpu.dma_semaphore, #tpu.memory_space<semaphore_mem>>) src(%dma_wait3A_73 : memref<632x64xf32, #tpu.memory_space<vmem_shared>>) dst(%dma_wait3A_71 : memref<632x64xf32, #tpu.memory_space<hbm>>)
      tpu.yield
    }) : () -> ()
    return
  }
}

#map = affine_map<(d0, d1) -> (0, 0, 0, 0)>
#map1 = affine_map<(d0, d1) -> (0, 0)>
module attributes {stable_mosaic.version = 14 : i64} {
  func.func @hist(%arg0: i32, %arg1: i32, %arg2: memref<2x16x250x80xi32, #tpu.memory_space<hbm>>, %arg3: memref<80x8xf32, #tpu.memory_space<hbm>>, %arg4: memref<632x8xf32, #tpu.memory_space<hbm>>, %arg5: memref<10112x128xf32, #tpu.memory_space<hbm>>, %arg6: memref<125x80xi32, #tpu.memory_space<vmem>>, %arg7: memref<80x8xf32, #tpu.memory_space<vmem>>, %arg8: memref<10112x8xf32, #tpu.memory_space<vmem_shared>>, %arg9: memref<!tpu.dma_semaphore, #tpu.memory_space<semaphore_mem>>) attributes {dimension_semantics = [#tpu.dimension_semantics<core_parallel>, #tpu.dimension_semantics<subcore_parallel>], iteration_bounds = array<i64: 2, 16>, scalar_prefetch = 0 : i64, scratch_operands = 4 : i64, tpu.core_type = #tpu.core_type<sc_vector_subcore>, window_params = [{transform_indices = #map}, {transform_indices = #map1}, {transform_indices = #map1}, {transform_indices = #map1}]} {
    %mul3A = arith.constant 125 : i32
    %mul3A_0 = arith.muli %arg0, %mul3A : i32
    %run_scoped3A = arith.constant 1 : i32
    "tpu.region"() ({
      %run_scoped3A_27 = tpu.sem_alloc : memref<!tpu.dma_semaphore, #tpu.memory_space<semaphore_mem>>
      %dma_start3A_28 = arith.constant 0 : i32
      %dma_start3A_29 = tpu.memref_slice %arg2[%run_scoped3A, %arg1, %mul3A_0, %dma_start3A_28] : memref<2x16x250x80xi32, #tpu.memory_space<hbm>> -> memref<1x1x125x80xi32, #tpu.memory_space<hbm>>
      %dma_start3A_30 = tpu.memref_squeeze %dma_start3A_29 : memref<1x1x125x80xi32, #tpu.memory_space<hbm>> -> memref<125x80xi32, #tpu.memory_space<hbm>>
      %dma_start3A_31 = arith.constant 0 : i32
      %dma_start3A_32 = tpu.memref_slice %arg2[%run_scoped3A, %arg1, %mul3A_0, %dma_start3A_31] : memref<2x16x250x80xi32, #tpu.memory_space<hbm>> -> memref<1x1x125x80xi32, #tpu.memory_space<hbm>>
      %dma_start3A_33 = tpu.memref_squeeze %dma_start3A_32 : memref<1x1x125x80xi32, #tpu.memory_space<hbm>> -> memref<125x80xi32, #tpu.memory_space<hbm>>
      tpu.enqueue_dma source(%dma_start3A_33 : memref<125x80xi32, #tpu.memory_space<hbm>>) target(%arg6 : memref<125x80xi32, #tpu.memory_space<vmem>>) target_semaphore(%run_scoped3A_27 : memref<!tpu.dma_semaphore, #tpu.memory_space<semaphore_mem>>)
      %dma_wait3A_34 = arith.constant 0 : i32
      %dma_wait3A_35 = tpu.memref_slice %arg2[%run_scoped3A, %arg1, %mul3A_0, %dma_wait3A_34] : memref<2x16x250x80xi32, #tpu.memory_space<hbm>> -> memref<1x1x125x80xi32, #tpu.memory_space<hbm>>
      %dma_wait3A_36 = tpu.memref_squeeze %dma_wait3A_35 : memref<1x1x125x80xi32, #tpu.memory_space<hbm>> -> memref<125x80xi32, #tpu.memory_space<hbm>>
      %dma_wait3A_37 = arith.constant 0 : i32
      %dma_wait3A_38 = tpu.memref_slice %arg2[%run_scoped3A, %arg1, %mul3A_0, %dma_wait3A_37] : memref<2x16x250x80xi32, #tpu.memory_space<hbm>> -> memref<1x1x125x80xi32, #tpu.memory_space<hbm>>
      %dma_wait3A_39 = tpu.memref_squeeze %dma_wait3A_38 : memref<1x1x125x80xi32, #tpu.memory_space<hbm>> -> memref<125x80xi32, #tpu.memory_space<hbm>>
      tpu.wait_dma2 semaphore(%run_scoped3A_27 : memref<!tpu.dma_semaphore, #tpu.memory_space<semaphore_mem>>) src(%dma_wait3A_39 : memref<125x80xi32, #tpu.memory_space<hbm>>) dst(%arg6 : memref<125x80xi32, #tpu.memory_space<vmem>>)
      tpu.yield
    }) : () -> ()
    "tpu.region"() ({
      %run_scoped3A_27 = tpu.sem_alloc : memref<!tpu.dma_semaphore, #tpu.memory_space<semaphore_mem>>
      tpu.enqueue_dma source(%arg3 : memref<80x8xf32, #tpu.memory_space<hbm>>) target(%arg7 : memref<80x8xf32, #tpu.memory_space<vmem>>) target_semaphore(%run_scoped3A_27 : memref<!tpu.dma_semaphore, #tpu.memory_space<semaphore_mem>>)
      tpu.wait_dma2 semaphore(%run_scoped3A_27 : memref<!tpu.dma_semaphore, #tpu.memory_space<semaphore_mem>>) src(%arg3 : memref<80x8xf32, #tpu.memory_space<hbm>>) dst(%arg7 : memref<80x8xf32, #tpu.memory_space<vmem>>)
      tpu.yield
    }) : () -> ()
    %mul3A_1 = arith.constant 632 : i32
    %mul3A_2 = arith.muli %arg1, %mul3A_1 : i32
    "tpu.region"() ({
      %run_scoped3A_27 = tpu.sem_alloc : memref<!tpu.dma_semaphore, #tpu.memory_space<semaphore_mem>>
      %dma_start3A_28 = arith.constant 0 : i32
      %dma_start3A_29 = tpu.memref_slice %arg8[%mul3A_2, %dma_start3A_28] : memref<10112x8xf32, #tpu.memory_space<vmem_shared>> -> memref<632x8xf32, #tpu.memory_space<vmem_shared>>
      tpu.enqueue_dma source(%arg4 : memref<632x8xf32, #tpu.memory_space<hbm>>) target(%dma_start3A_29 : memref<632x8xf32, #tpu.memory_space<vmem_shared>>) target_semaphore(%run_scoped3A_27 : memref<!tpu.dma_semaphore, #tpu.memory_space<semaphore_mem>>)
      %dma_wait3A_30 = arith.constant 0 : i32
      %dma_wait3A_31 = tpu.memref_slice %arg8[%mul3A_2, %dma_wait3A_30] : memref<10112x8xf32, #tpu.memory_space<vmem_shared>> -> memref<632x8xf32, #tpu.memory_space<vmem_shared>>
      tpu.wait_dma2 semaphore(%run_scoped3A_27 : memref<!tpu.dma_semaphore, #tpu.memory_space<semaphore_mem>>) src(%arg4 : memref<632x8xf32, #tpu.memory_space<hbm>>) dst(%dma_wait3A_31 : memref<632x8xf32, #tpu.memory_space<vmem_shared>>)
      tpu.yield
    }) : () -> ()
    %barrier3A = arith.constant 0 : index
    tpu.barrier barrier_id(%barrier3A)
    %dma_start3A = arith.constant 0 : i32
    %dma_start3A_3 = arith.constant 0 : i32
    %dma_start3A_4 = tpu.memref_slice %arg6[%dma_start3A, %dma_start3A_3] : memref<125x80xi32, #tpu.memory_space<vmem>> -> memref<1x80xi32, #tpu.memory_space<vmem>>
    %dma_start3A_5 = tpu.memref_squeeze %dma_start3A_4 : memref<1x80xi32, #tpu.memory_space<vmem>> -> memref<80xi32, #tpu.memory_space<vmem>>
    %dma_start3A_6 = arith.constant 0 : i32
    %dma_start3A_7 = arith.constant 0 : i32
    %dma_start3A_8 = tpu.memref_slice %arg8[%dma_start3A_6, %dma_start3A_7] : memref<10112x8xf32, #tpu.memory_space<vmem_shared>> -> memref<10112x8xf32, #tpu.memory_space<vmem_shared>>
    tpu.enqueue_indirect_dma source(%arg7 : memref<80x8xf32, #tpu.memory_space<vmem>>) target(%dma_start3A_8 : memref<10112x8xf32, #tpu.memory_space<vmem_shared>>) offsets(%dma_start3A_5 : memref<80xi32, #tpu.memory_space<vmem>>) semaphore(%arg9 : memref<!tpu.dma_semaphore, #tpu.memory_space<semaphore_mem>>) {add = true}
    %scan3A = arith.constant 0 : i32
    %scan3A_9 = arith.constant 1 : i32
    %scan3A_10 = arith.constant 124 : i32
    %scan3A_11 = arith.addi %scan3A_9, %scan3A_10 : i32
    %scan3A_12 = arith.constant 1 : i32
    scf.for %scan3A_27 = %scan3A_9 to %scan3A_11 step %scan3A_12  : i32 {
      %dma_start3A_28 = arith.constant 0 : i32
      %dma_start3A_29 = tpu.memref_slice %arg6[%scan3A_27, %dma_start3A_28] : memref<125x80xi32, #tpu.memory_space<vmem>> -> memref<1x80xi32, #tpu.memory_space<vmem>>
      %dma_start3A_30 = tpu.memref_squeeze %dma_start3A_29 : memref<1x80xi32, #tpu.memory_space<vmem>> -> memref<80xi32, #tpu.memory_space<vmem>>
      %dma_start3A_31 = arith.constant 0 : i32
      %dma_start3A_32 = arith.constant 0 : i32
      %dma_start3A_33 = tpu.memref_slice %arg8[%dma_start3A_31, %dma_start3A_32] : memref<10112x8xf32, #tpu.memory_space<vmem_shared>> -> memref<10112x8xf32, #tpu.memory_space<vmem_shared>>
      tpu.enqueue_indirect_dma source(%arg7 : memref<80x8xf32, #tpu.memory_space<vmem>>) target(%dma_start3A_33 : memref<10112x8xf32, #tpu.memory_space<vmem_shared>>) offsets(%dma_start3A_30 : memref<80xi32, #tpu.memory_space<vmem>>) semaphore(%arg9 : memref<!tpu.dma_semaphore, #tpu.memory_space<semaphore_mem>>) {add = true}
      %dma_wait3A_34 = arith.constant 0 : i32
      %dma_wait3A_35 = arith.constant 0 : i32
      %dma_wait3A_36 = tpu.memref_slice %arg6[%dma_wait3A_34, %dma_wait3A_35] : memref<125x80xi32, #tpu.memory_space<vmem>> -> memref<1x80xi32, #tpu.memory_space<vmem>>
      %dma_wait3A_37 = tpu.memref_squeeze %dma_wait3A_36 : memref<1x80xi32, #tpu.memory_space<vmem>> -> memref<80xi32, #tpu.memory_space<vmem>>
      %dma_wait3A_38 = arith.constant 0 : i32
      %dma_wait3A_39 = arith.constant 0 : i32
      %dma_wait3A_40 = tpu.memref_slice %arg8[%dma_wait3A_38, %dma_wait3A_39] : memref<10112x8xf32, #tpu.memory_space<vmem_shared>> -> memref<10112x8xf32, #tpu.memory_space<vmem_shared>>
      tpu.wait_indirect_dma semaphore(%arg9 : memref<!tpu.dma_semaphore, #tpu.memory_space<semaphore_mem>>) src(%arg7 : memref<80x8xf32, #tpu.memory_space<vmem>>) dst(%dma_wait3A_40 : memref<10112x8xf32, #tpu.memory_space<vmem_shared>>)
    }
    %scan3A_13 = arith.constant 124 : i32
    %dma_wait3A = arith.constant 0 : i32
    %dma_wait3A_14 = arith.constant 0 : i32
    %dma_wait3A_15 = tpu.memref_slice %arg6[%dma_wait3A, %dma_wait3A_14] : memref<125x80xi32, #tpu.memory_space<vmem>> -> memref<1x80xi32, #tpu.memory_space<vmem>>
    %dma_wait3A_16 = tpu.memref_squeeze %dma_wait3A_15 : memref<1x80xi32, #tpu.memory_space<vmem>> -> memref<80xi32, #tpu.memory_space<vmem>>
    %dma_wait3A_17 = arith.constant 0 : i32
    %dma_wait3A_18 = arith.constant 0 : i32
    %dma_wait3A_19 = tpu.memref_slice %arg8[%dma_wait3A_17, %dma_wait3A_18] : memref<10112x8xf32, #tpu.memory_space<vmem_shared>> -> memref<10112x8xf32, #tpu.memory_space<vmem_shared>>
    tpu.wait_indirect_dma semaphore(%arg9 : memref<!tpu.dma_semaphore, #tpu.memory_space<semaphore_mem>>) src(%arg7 : memref<80x8xf32, #tpu.memory_space<vmem>>) dst(%dma_wait3A_19 : memref<10112x8xf32, #tpu.memory_space<vmem_shared>>)
    %barrier3A_20 = arith.constant 0 : index
    tpu.barrier barrier_id(%barrier3A_20)
    %mul3A_21 = arith.constant 632 : i32
    %mul3A_22 = arith.muli %arg1, %mul3A_21 : i32
    %mul3A_23 = arith.constant 632 : i32
    %mul3A_24 = arith.muli %arg1, %mul3A_23 : i32
    %mul3A_25 = arith.constant 8 : i32
    %mul3A_26 = arith.muli %arg0, %mul3A_25 : i32
    "tpu.region"() ({
      %run_scoped3A_27 = tpu.sem_alloc : memref<!tpu.dma_semaphore, #tpu.memory_space<semaphore_mem>>
      %dma_start3A_28 = tpu.memref_slice %arg5[%mul3A_24, %mul3A_26] : memref<10112x128xf32, #tpu.memory_space<hbm>> -> memref<632x8xf32, #tpu.memory_space<hbm>>
      %dma_start3A_29 = arith.constant 0 : i32
      %dma_start3A_30 = tpu.memref_slice %arg8[%mul3A_22, %dma_start3A_29] : memref<10112x8xf32, #tpu.memory_space<vmem_shared>> -> memref<632x8xf32, #tpu.memory_space<vmem_shared>>
      tpu.enqueue_dma source(%dma_start3A_30 : memref<632x8xf32, #tpu.memory_space<vmem_shared>>) target(%dma_start3A_28 : memref<632x8xf32, #tpu.memory_space<hbm>>) target_semaphore(%run_scoped3A_27 : memref<!tpu.dma_semaphore, #tpu.memory_space<semaphore_mem>>)
      %dma_wait3A_31 = tpu.memref_slice %arg5[%mul3A_24, %mul3A_26] : memref<10112x128xf32, #tpu.memory_space<hbm>> -> memref<632x8xf32, #tpu.memory_space<hbm>>
      %dma_wait3A_32 = arith.constant 0 : i32
      %dma_wait3A_33 = tpu.memref_slice %arg8[%mul3A_22, %dma_wait3A_32] : memref<10112x8xf32, #tpu.memory_space<vmem_shared>> -> memref<632x8xf32, #tpu.memory_space<vmem_shared>>
      tpu.wait_dma2 semaphore(%run_scoped3A_27 : memref<!tpu.dma_semaphore, #tpu.memory_space<semaphore_mem>>) src(%dma_wait3A_33 : memref<632x8xf32, #tpu.memory_space<vmem_shared>>) dst(%dma_wait3A_31 : memref<632x8xf32, #tpu.memory_space<hbm>>)
      tpu.yield
    }) : () -> ()
    return
  }
}

module attributes {stable_mosaic.version = 14 : i64} {
  func.func @body(%arg0: i32, %arg1: memref<1000x128xf32, #tpu.memory_space<vmem>>, %arg2: memref<1000x128xf32, #tpu.memory_space<vmem>>, %arg3: memref<1000x128xf32, #tpu.memory_space<vmem>>, %arg4: memref<1x128xf32, #tpu.memory_space<vmem>>, %arg5: memref<1000x128xf32, #tpu.memory_space<vmem>>) attributes {dimension_semantics = [#tpu.dimension_semantics<arbitrary>], iteration_bounds = array<i64: 10>, scalar_prefetch = 0 : i64, scratch_operands = 0 : i64, tpu.core_type = #tpu.core_type<tc>, window_params = [{transform_indices = @transform_0, window_bounds = array<i64: 1000, 128>}, {transform_indices = @transform_1, window_bounds = array<i64: 1000, 128>}, {transform_indices = @transform_2, window_bounds = array<i64: 1000, 128>}, {pipeline_mode = #tpu.pipeline_mode<synchronous>, transform_indices = @transform_3, window_bounds = array<i64: 1, 128>}, {transform_indices = @transform_4, window_bounds = array<i64: 1000, 128>}]} {
    %get3A = arith.constant 0 : index
    %get3A_0 = arith.constant 0 : index
    %get3A_1 = vector.load %arg3[%get3A, %get3A_0] : memref<1000x128xf32, #tpu.memory_space<vmem>>, vector<1000x1xf32>
    %get3A_2 = arith.constant 0 : index
    %get3A_3 = arith.constant 8 : index
    %get3A_4 = vector.load %arg3[%get3A_2, %get3A_3] : memref<1000x128xf32, #tpu.memory_space<vmem>>, vector<1000x1xf32>
    %add3A = arith.addf %get3A_1, %get3A_4 : vector<1000x1xf32>
    %add3A_5 = arith.constant 1.000000e+00 : f32
    %add3A_6 = vector.broadcast %add3A_5 : f32 to vector<1000x1xf32>
    %add3A_7 = arith.addf %add3A, %add3A_6 : vector<1000x1xf32>
    %rsqrt3A = math.rsqrt %add3A_7 : vector<1000x1xf32>
    %get3A_8 = arith.constant 0 : index
    %get3A_9 = arith.constant 0 : index
    %get3A_10 = vector.load %arg1[%get3A_8, %get3A_9] : memref<1000x128xf32, #tpu.memory_space<vmem>>, vector<1000x128xf32>
    %get3A_11 = arith.constant 0 : index
    %get3A_12 = arith.constant 0 : index
    %get3A_13 = vector.load %arg2[%get3A_11, %get3A_12] : memref<1000x128xf32, #tpu.memory_space<vmem>>, vector<1000x128xf32>
    %add3A_14 = arith.addf %get3A_10, %get3A_13 : vector<1000x128xf32>
    %mul3A = vector.broadcast %rsqrt3A : vector<1000x1xf32> to vector<1000x128xf32>
    %mul3A_15 = arith.mulf %mul3A, %add3A_14 : vector<1000x128xf32>
    %get3A_16 = arith.constant 0 : index
    %get3A_17 = arith.constant 0 : index
    %get3A_18 = vector.load %arg4[%get3A_16, %get3A_17] : memref<1x128xf32, #tpu.memory_space<vmem>>, vector<1x128xf32>
    %add3A_19 = vector.broadcast %get3A_18 : vector<1x128xf32> to vector<1000x128xf32>
    %add3A_20 = arith.addf %mul3A_15, %add3A_19 : vector<1000x128xf32>
    %swap3A = arith.constant 0 : index
    %swap3A_21 = arith.constant 0 : index
    %swap3A_22 = vector.load %arg5[%swap3A, %swap3A_21] : memref<1000x128xf32, #tpu.memory_space<vmem>>, vector<1000x128xf32>
    tpu.vector_store %arg5[%swap3A, %swap3A_21], %add3A_20 {strides = array<i32>} : memref<1000x128xf32, #tpu.memory_space<vmem>>, vector<1000x128xf32>,
    return
  }
  func.func @transform_0(%arg0: i32) -> (i32, i32) {
    %c0_i32 = arith.constant 0 : i32
    %c0_i32_0 = arith.constant 0 : i32
    return %arg0, %c0_i32 : i32, i32
  }
  func.func @transform_1(%arg0: i32) -> (i32, i32) {
    %c0_i32 = arith.constant 0 : i32
    %c0_i32_0 = arith.constant 0 : i32
    return %arg0, %c0_i32 : i32, i32
  }
  func.func @transform_2(%arg0: i32) -> (i32, i32) {
    %c0_i32 = arith.constant 0 : i32
    %c0_i32_0 = arith.constant 0 : i32
    return %arg0, %c0_i32 : i32, i32
  }
  func.func @transform_3(%arg0: i32) -> (i32, i32) {
    %c0_i32 = arith.constant 0 : i32
    %c0_i32_0 = arith.constant 0 : i32
    %c0_i32_1 = arith.constant 0 : i32
    return %c0_i32, %c0_i32_0 : i32, i32
  }
  func.func @transform_4(%arg0: i32) -> (i32, i32) {
    %c0_i32 = arith.constant 0 : i32
    %c0_i32_0 = arith.constant 0 : i32
    return %arg0, %c0_i32 : i32, i32
  }
}

module attributes {stable_mosaic.version = 14 : i64} {
  func.func @body(%arg0: i32, %arg1: memref<1000x128xf32, #tpu.memory_space<vmem>>, %arg2: memref<128x128xf32, #tpu.memory_space<vmem>>, %arg3: memref<1000x128xf32, #tpu.memory_space<vmem>>) attributes {dimension_semantics = [#tpu.dimension_semantics<arbitrary>], iteration_bounds = array<i64: 10>, scalar_prefetch = 0 : i64, scratch_operands = 0 : i64, tpu.core_type = #tpu.core_type<tc>, window_params = [{transform_indices = @transform_0, window_bounds = array<i64: 1000, 128>}, {pipeline_mode = #tpu.pipeline_mode<synchronous>, transform_indices = @transform_1, window_bounds = array<i64: 128, 128>}, {transform_indices = @transform_2, window_bounds = array<i64: 1000, 128>}]} {
    %get3A = arith.constant 0 : index
    %get3A_0 = arith.constant 0 : index
    %get3A_1 = vector.load %arg1[%get3A, %get3A_0] : memref<1000x128xf32, #tpu.memory_space<vmem>>, vector<1000x128xf32>
    %get3A_2 = arith.constant 0 : index
    %get3A_3 = arith.constant 0 : index
    %get3A_4 = vector.load %arg2[%get3A_2, %get3A_3] : memref<128x128xf32, #tpu.memory_space<vmem>>, vector<128x128xf32>
    %dot_general3A = arith.constant dense<0.000000e+00> : vector<1000x128xf32>
    %dot_general3A_5 = tpu.matmul %get3A_1, %get3A_4, %dot_general3A {dimension_numbers = #tpu.dot_dimension_numbers<[1], [0], [0], [1], [0, 0, 1, 1], [], []>, transpose_lhs_hint = false} : vector<1000x128xf32>, vector<128x128xf32>, vector<1000x128xf32> -> vector<1000x128xf32>
    %swap3A = arith.constant 0 : index
    %swap3A_6 = arith.constant 0 : index
    %swap3A_7 = vector.load %arg3[%swap3A, %swap3A_6] : memref<1000x128xf32, #tpu.memory_space<vmem>>, vector<1000x128xf32>
    tpu.vector_store %arg3[%swap3A, %swap3A_6], %dot_general3A_5 {strides = array<i32>} : memref<1000x128xf32, #tpu.memory_space<vmem>>, vector<1000x128xf32>,
    return
  }
  func.func @transform_0(%arg0: i32) -> (i32, i32) {
    %c0_i32 = arith.constant 0 : i32
    %c0_i32_0 = arith.constant 0 : i32
    return %arg0, %c0_i32 : i32, i32
  }
  func.func @transform_1(%arg0: i32) -> (i32, i32) {
    %c0_i32 = arith.constant 0 : i32
    %c0_i32_0 = arith.constant 0 : i32
    %c0_i32_1 = arith.constant 0 : i32
    return %c0_i32, %c0_i32_0 : i32, i32
  }
  func.func @transform_2(%arg0: i32) -> (i32, i32) {
    %c0_i32 = arith.constant 0 : i32
    %c0_i32_0 = arith.constant 0 : i32
    return %arg0, %c0_i32 : i32, i32
  }
}

module attributes {stable_mosaic.version = 14 : i64} {
  func.func @body(%arg0: i32, %arg1: memref<1000x128xf32, #tpu.memory_space<vmem>>, %arg2: memref<1000x128xf32, #tpu.memory_space<vmem>>, %arg3: memref<1000x128xf32, #tpu.memory_space<vmem>>) attributes {dimension_semantics = [#tpu.dimension_semantics<arbitrary>], iteration_bounds = array<i64: 10>, scalar_prefetch = 0 : i64, scratch_operands = 0 : i64, tpu.core_type = #tpu.core_type<tc>, window_params = [{transform_indices = @transform_0, window_bounds = array<i64: 1000, 128>}, {transform_indices = @transform_1, window_bounds = array<i64: 1000, 128>}, {transform_indices = @transform_2, window_bounds = array<i64: 1000, 128>}]} {
    %get3A = arith.constant 0 : index
    %get3A_0 = arith.constant 0 : index
    %get3A_1 = vector.load %arg2[%get3A, %get3A_0] : memref<1000x128xf32, #tpu.memory_space<vmem>>, vector<1000x1xf32>
    %get3A_2 = arith.constant 0 : index
    %get3A_3 = arith.constant 8 : index
    %get3A_4 = vector.load %arg2[%get3A_2, %get3A_3] : memref<1000x128xf32, #tpu.memory_space<vmem>>, vector<1000x1xf32>
    %add3A = arith.addf %get3A_1, %get3A_4 : vector<1000x1xf32>
    %add3A_5 = arith.constant 1.000000e+00 : f32
    %add3A_6 = vector.broadcast %add3A_5 : f32 to vector<1000x1xf32>
    %add3A_7 = arith.addf %add3A, %add3A_6 : vector<1000x1xf32>
    %get3A_8 = arith.constant 0 : index
    %get3A_9 = arith.constant 0 : index
    %get3A_10 = vector.load %arg1[%get3A_8, %get3A_9] : memref<1000x128xf32, #tpu.memory_space<vmem>>, vector<1000x128xf32>
    %rsqrt3A = math.rsqrt %add3A_7 : vector<1000x1xf32>
    %mul3A = vector.broadcast %rsqrt3A : vector<1000x1xf32> to vector<1000x128xf32>
    %mul3A_11 = arith.mulf %get3A_10, %mul3A : vector<1000x128xf32>
    %swap3A = arith.constant 0 : index
    %swap3A_12 = arith.constant 0 : index
    %swap3A_13 = vector.load %arg3[%swap3A, %swap3A_12] : memref<1000x128xf32, #tpu.memory_space<vmem>>, vector<1000x128xf32>
    tpu.vector_store %arg3[%swap3A, %swap3A_12], %mul3A_11 {strides = array<i32>} : memref<1000x128xf32, #tpu.memory_space<vmem>>, vector<1000x128xf32>,
    return
  }
  func.func @transform_0(%arg0: i32) -> (i32, i32) {
    %c0_i32 = arith.constant 0 : i32
    %c0_i32_0 = arith.constant 0 : i32
    return %arg0, %c0_i32 : i32, i32
  }
  func.func @transform_1(%arg0: i32) -> (i32, i32) {
    %c0_i32 = arith.constant 0 : i32
    %c0_i32_0 = arith.constant 0 : i32
    return %arg0, %c0_i32 : i32, i32
  }
  func.func @transform_2(%arg0: i32) -> (i32, i32) {
    %c0_i32 = arith.constant 0 : i32
    %c0_i32_0 = arith.constant 0 : i32
    return %arg0, %c0_i32 : i32, i32
  }
}

</mosaic_0001>

<sc_bundles>
// kernel: kernel.10.cloned.1.call-start
scs
__scs_entry_jumppad:
0x0: {  	(pc) =	sbr.rel $0x88, $3  }
0x1: {  	(tag) =	ssettag $0x0;
	lr =	simm.s32 $0x1  }
0x2: {  	[smem:$0x3F9D] =	sst lr;
	_ =	strace $0xD0000000  }
0x3: {  	_ = 	snop  }
0x4: {  	_ = 	snop  }
0x5: {  	_ = 	snop  }
0x6: {  	_ = 	snop  }
0x7: {  	_ = 	snop  }
__scs_overlays_trampoline_lowered:
0x8: {  	[smem:$0x3FAC] =	sst s0  }
0x9: {  	[smem:$0x3FAD] =	sst s1  }
0xa: {  	[smem:$0x3FAE] =	sst s2  }
0xb: {  	[smem:$0x3FAF] =	sst s3  }
0xc: {  	[smem:$0x3FB0] =	sst s4  }
0xd: {  	[smem:$0x3FB1] =	sst s5  }
0xe: {  	[smem:$0x3FB2] =	sst s6  }
0xf: {  	[smem:$0x3FB3] =	sst s7  }
0x10: {  	[smem:$0x3FB4] =	sst s8  }
0x11: {  	[smem:$0x3FB5] =	sst s9;
	s0 =	simm.s32 @!p0 $0x0  }
0x12: {  	s1 =	sld [smem:$0x3F9B];
	s0 =	simm.s32 @p0 $0x1  }
0x13: {  	[smem:$0x3FB6] =	sst s0;
	s0 =	simm.s32 @!p1 $0x0  }
0x14: {  	s2 =	sld [smem:$0x3F9A];
	s0 =	simm.s32 @p1 $0x1  }
0x15: {  	[smem:$0x3FB7] =	sst s0;
	s0 =	simm.s32 @!p2 $0x0  }
0x16: {  	s3 =	sld [smem:$0x3FDB];
	s0 =	simm.s32 @p2 $0x1  }
0x17: {  	s4 =	simm.s32 $0x1BF5;
	[smem:$0x3FB9] =	sst s0  }
0x18: {  	s0 =	sld [smem:$0x3F9C];
	_ =	swait.ge [sflag:s4], $0x0  }
0x19: {  	s7 =	sld [smem:$0x3F9D]  }
0x1a: {  	s8 =	sadd.s32 $0xFFFFE003, lr  }
0x1b: {  	s9 =	sadd.s32 $0xFFFFFEF7, lr;
	s5 =	simm.s32 $0xFFFFFFFF;
	p2 =	slt.u32 s8, $0xFFFFF086  }
0x1c: {  	p1 =	slt.u32 s9, $0xF7A;
	s5 =	simm.s32 @!p2 $0x0  }
0x1d: {  	s5 =	simm.s32 @p1 $0x1;
	p0 =	seq.s32 s7, s2  }
0x1e: {  	s7 =	smul.u32 @!p0 $0xF7A, s2;
	p2 =	seq.s32 @!p0 s5, $0x0  }
0x1f: {  	s9 =	smul.u32 $0xF7A, s1;
	s8 =	simm.s32 @!p0 $0x1BF5;
	p2 =	por !p2, p0  }
0x20: {  	[sflag:s8] =	ssyncset.s32 @!p0 $0xFFFFF086;
	s6 =	sadd.s32 @!p0 s3, s7;
	s7 =	simm.s32 @!p0 $0x108  }
0x21: {  	s3 =	sadd.s32 s3, s9;
	s6 =	sadd.s32 @!p0 $0x88, s6;
	s7 =	simm.s32 @p2 $0x1082  }
0x22: {  	[simem:s7], [sflag:s8] =	dma.local @!p0 [hbm:s6], $0xF7A  }
0x23: {  	s9 =	sor.u32 $0xD0000000, s2;
	s6 =	simm.s32 $0x108;
	_ =	swait.ge @!p0 [sflag:s8], $0x0  }
0x24: {  	s3 =	sadd.s32 $0x88, s3;
	s6 =	simm.s32 @!p1 $0x1082;
	[sflag:s4] =	ssyncset.s32 $0xFFFFF086  }
0x25: {  	[simem:s6], [sflag:s4] =	dma.local [hbm:s3], $0xF7A  }
0x26: {  	[smem:$0x3F9D] =	sst s1;
	(tag) =	ssettag s2;
	_ =	strace s9  }
0x27: {  	s1 =	sld [smem:$0x3FAD]  }
0x28: {  	s2 =	sld [smem:$0x3FAE]  }
0x29: {  	s4 =	sld [smem:$0x3FB0]  }
0x2a: {  	p0 =	seq.s32 s5, $0x0;
	s5 =	sld [smem:$0x3FB1]  }
0x2b: {  	s6 =	sld [smem:$0x3FB2]  }
0x2c: {  	s7 =	sld [smem:$0x3FB3]  }
0x2d: {  	s3 =	simm.s32 $0x108;
	s8 =	sld [smem:$0x3FB4]  }
0x2e: {  	s3 =	simm.s32 @!p0 $0x1082;
	s9 =	sld [smem:$0x3FB5]  }
0x2f: {  	lr =	sadd.s32 s0, s3;
	s0 =	sld [smem:$0x3FAC]  }
0x30: {  	s3 =	sld [smem:$0x3FAF]  }
0x31: {  	[smem:$0x3FB8] =	sst s10  }
0x32: {  	s10 =	sld [smem:$0x3FB6];
	_ =	sdelay $0x3  }
0x33: {  	p0 =	seq.s32 s10, $0x1;
	s10 =	sld [smem:$0x3FB8];
	_ =	sdelay $0x3  }
0x34: {  	[smem:$0x3FB8] =	sst s10  }
0x35: {  	s10 =	sld [smem:$0x3FB7];
	_ =	sdelay $0x3  }
0x36: {  	p1 =	seq.s32 s10, $0x1;
	s10 =	sld [smem:$0x3FB8];
	_ =	sdelay $0x3  }
0x37: {  	[smem:$0x3FB8] =	sst s10  }
0x38: {  	s10 =	sld [smem:$0x3FB9]  }
0x39: {  	_ = 	snop;
	(pc) =	sbr.ind lr, $3  }
0x3a: {  	_ = 	snop  }
0x3b: {  	_ = 	snop  }
0x3c: {  	p2 =	seq.s32 s10, $0x1;
	s10 =	sld [smem:$0x3FB8]  }
0x3d: {  	_ =	shalt  }
0x3e: {  	_ =	shalt  }
0x3f: {  	_ =	shalt  }
0x40: {  	_ =	shalt  }
0x41: {  	_ =	shalt  }
0x42: {  	_ =	shalt  }
0x43: {  	_ =	shalt  }
0x44: {  	_ =	shalt  }
0x45: {  	_ =	shalt  }
0x46: {  	_ =	shalt  }
0x47: {  	_ =	shalt  }
0x48: {  	_ =	shalt  }
0x49: {  	_ =	shalt  }
0x4a: {  	_ =	shalt  }
0x4b: {  	_ =	shalt  }
0x4c: {  	_ =	shalt  }
0x4d: {  	_ =	shalt  }
0x4e: {  	_ =	shalt  }
0x4f: {  	_ =	shalt  }
0x50: {  	_ =	shalt  }
0x51: {  	_ =	shalt  }
0x52: {  	_ =	shalt  }
0x53: {  	_ =	shalt  }
0x54: {  	_ =	shalt  }
0x55: {  	_ =	shalt  }
0x56: {  	_ =	shalt  }
0x57: {  	_ =	shalt  }
0x58: {  	_ =	shalt  }
0x59: {  	_ =	shalt  }
0x5a: {  	_ =	shalt  }
0x5b: {  	_ =	shalt  }
0x5c: {  	_ =	shalt  }
0x5d: {  	_ =	shalt  }
0x5e: {  	_ =	shalt  }
0x5f: {  	_ =	shalt  }
0x60: {  	_ =	shalt  }
0x61: {  	_ =	shalt  }
0x62: {  	_ =	shalt  }
0x63: {  	_ =	shalt  }
0x64: {  	_ =	shalt  }
0x65: {  	_ =	shalt  }
0x66: {  	_ =	shalt  }
0x67: {  	_ =	shalt  }
0x68: {  	_ =	shalt  }
0x69: {  	_ =	shalt  }
0x6a: {  	_ =	shalt  }
0x6b: {  	_ =	shalt  }
0x6c: {  	_ =	shalt  }
0x6d: {  	_ =	shalt  }
0x6e: {  	_ =	shalt  }
0x6f: {  	_ =	shalt  }
0x70: {  	_ =	shalt  }
0x71: {  	_ =	shalt  }
0x72: {  	_ =	shalt  }
0x73: {  	_ =	shalt  }
0x74: {  	_ =	shalt  }
0x75: {  	_ =	shalt  }
0x76: {  	_ =	shalt  }
0x77: {  	_ =	shalt  }
0x78: {  	_ =	shalt  }
0x79: {  	_ =	shalt  }
0x7a: {  	_ =	shalt  }
0x7b: {  	_ =	shalt  }
0x7c: {  	_ =	shalt  }
0x7d: {  	_ =	shalt  }
0x7e: {  	_ =	shalt  }
0x7f: {  	_ =	shalt  }
0x80: {  	_ =	shalt  }
0x81: {  	_ =	shalt  }
0x82: {  	_ =	shalt  }
0x83: {  	_ =	shalt  }
0x84: {  	_ =	shalt  }
0x85: {  	_ =	shalt  }
0x86: {  	_ =	shalt  }
0x87: {  	_ =	shalt  }
.Lfunc_end0:
.L_simem_size_0:
called_computation.1_lowered:
.L_overlay_start_0:
0x88: {  	s2 =	sld [smem:$0x3FD9]  }
0x89: {  	s3 =	sld [smem:$0x3FFE];
	_ =	sdelay $0x1  }
0x8a: {  	s1 =	srdreg.scid  }
0x8b: {  	s0 =	sand.u32 $0x1, s1  }
0x8c: {  	s17 =	sshll.u32 s0, $0xA;
	s2 =	sadd.s32 s3, s2  }
0x8d: {  	s2 =	sadd.s32 s2, s17  }
0x8e: {  	[smem:$0x3FC4] =	sst s2  }
0x8f: {  	_ = 	snop  }
0x90: {  	s2 =	sld [smem:$0x3FD0];
	(tm) =	ssettm $0x1  }
0x91: {  	s18 =	sld [smem:$0x3FFB];
	_ =	sdelay $0x3  }
0x92: {  	_ =	strace s18  }
0x93: {  	s3 =	sld [smem:$0x3FFC];
	_ =	sdelay $0x3  }
0x94: {  	_ =	strace s3  }
0x95: {  	s3 =	sld [smem:$0x3FFD];
	_ =	sdelay $0x3  }
0x96: {  	_ =	strace s3  }
0x97: {  	_ =	strace $0x8FFFFFFF  }
0x98: {  	s19 =	sld [smem:$0x3FDB];
	_ =	sdelay $0x1  }
0x99: {  	s4 =	simm.s32 $_scs_section_size  }
0x9a: {  	s5 =	simm.s32 $_size__tile_overlayer_lowered;
	s6 =	simm.s32 $_tile_overlayer_lowered  }
0x9b: {  	s22 =	simm.s32 $0x1BFF;
	s21 =	sshll.u32 s6, $0x1;
	s3 =	sadd.s32 s4, s19  }
0x9c: {  	s7 =	simm.s32 $0x0;
	s20 =	sshll.u32 s5, $0x1;
	s5 =	sadd.s32 s21, s3  }
0x9d: {  	[timem:s7], [sflag:s22] =	dma.local [hbm:s5], s20  }
0x9e: {  	_ =	swait.ge [sflag:s22], s20  }
0x9f: {  	s4 =	ssub.s32 $0x0, s20;
	[sflag:s22] =	ssyncset.done $0x0  }
0xa0: {  	[sflag:s22] =	ssyncadd.s32 s4;
	_ =	sdelay $0x1  }
0xa1: {  	s23 =	simm.s32 $0x1B8B  }
0xa2: {  	_ =	swait.ge [sflag:s23], $0x1  }
0xa3: {  	[sflag:s23] =	ssyncset.done $0x0  }
0xa4: {  	s25 =	simm.s32 $0x1B8E;
	s24 =	sld [smem:$0x3FFE];
	[sflag:s23] =	ssyncadd.s32 $0xFFFFFFFF  }
0xa5: {  	s26 =	simm.s32 $execute0_lowered;
	[smem:$0x3FD2] =	sst s25  }
0xa6: {  	s5 =	sshll.u32 s26, $0x1;
	_ =	strace $0x80000049;
	[dreg:$0x1] =	wrdreg $0xFFFFFFFF  }
0xa7: {  	s28 =	simm.s32 $_size_execute0_lowered;
	s3 =	sadd.s32 s3, s5;
	[dreg:$0x0] =	wrdreg $0x0  }
0xa8: {  	s5 =	sshll.u32 s28, $0x1;
	[dreg:$0x2] =	wrdreg s3  }
0xa9: {  	[dreg:$0x3] =	wrdreg s5  }
0xaa: {  	[dreg:$0x4] =	wrdreg $0xC0  }
0xab: {  	_ =	task [dreg:s7], $0x5FFFF  }
0xac: {  	[dreg:$0x1] =	wrdreg $0xFFFFFFFF  }
0xad: {  	[dreg:$0x0] =	wrdreg $0x60  }
0xae: {  	[dreg:$0x2] =	wrdreg s24  }
0xaf: {  	[dreg:$0x3] =	wrdreg s2  }
0xb0: {  	[dreg:$0x4] =	wrdreg $0x7C600  }
0xb1: {  	[dreg:$0x5] =	wrdreg $0x118A00  }
0xb2: {  	[dreg:$0x6] =	wrdreg $0x9  }
0xb3: {  	_ =	task.clear_ibuf [dreg:s7], $0x7FFFF;
	_ =	strace $0x90000049  }
0xb4: {  	s29 =	simm.s32 $0x9;
	_ =	strace $0x8000004B  }
0xb5: {  	_ =	swait.ge [sflag:s29], $0x1  }
0xb6: {  	[sflag:s29] =	ssyncadd.s32 $0xFFFFFFFF  }
0xb7: {  	_ =	strace $0x9000004B  }
0xb8: {  	_ =	sfence  }
0xb9: {  	s30 =	sld [smem:$0x0];
	_ =	sdelay $0x2  }
0xba: {  	s31 =	sshll.u32 s1, $0xD;
	s1 =	sshrl.u32 s1, $0x2  }
0xbb: {  	s3 =	sand.u32 $0x4000, s31;
	s1 =	sadd.s32 s1, s30  }
0xbc: {  	s0 =	sor.u32 s3, s0;
	s1 =	sshll.u32 s1, $0x11  }
0xbd: {  	s0 =	sor.u32 s1, s0  }
0xbe: {  	s0 =	sadd.s32 $0x8F2B, s0  }
0xbf: {  	[sflag:s0] =	ssyncadd.remote.s32 $0x1  }
0xc0: {  	_ =	sfence.sel $0xFFFF  }
0xc1: {  	[dreg:$0x0] =	wrdreg $0xFFFFFFFF;
	(pc) =	sbr.abs _section_cstart, $3  }
0xc2: {  	[dreg:$0x1] =	wrdreg $0xFFFFFFFF  }
0xc3: {  	_ =	task.clear_ibuf [dreg:s7], $0x2FFFF;
	_ =	strace $0x9FFFFFFF  }
0xc4: {  	(tm) =	ssettm $0x7FFFFFFF  }
0xc5: {  	_ =	shalt  }
tec
execute0_lowered:
.L_overlay_start_1:
0x0: {  	(tag) =	ssettag $0x1  }
0x1: {  	s0 =	rddreg [dreg:$0x0]  }
0x2: {  	s3 =	rddreg [dreg:$0x1]  }
0x3: {  	s1 =	rddreg [dreg:$0x2]  }
0x4: {  	s2 =	rddreg [dreg:$0x3];
	s4 =	simm.s32 $0x0;
	s5 =	srdreg.scid  }
0x5: {  	s12 =	stileid.u32;
	s15 =	simm.s32 $0x1;
	s16 =	simm.s32 $0x8  }
0x6: {  	s17 =	simm.s32 $0x10;
	s18 =	simm.s32 $0x4;
	s7 =	smul.u32 $0x13C00, s12  }
0x7: {  	s21 =	simm.s32 $0x3;
	[smem:$0x7FF] =	sst s4;
	s9 =	smul.u32 $0x27100, s12  }
0x8: {  	s6 =	sand.u32 $0x1, s5;
	s5 =	sadd.s32 $0x1C00, s0;
	s11 =	smul.u32 $0x13880, s12  }
0x9: {  	s8 =	sadd.s32 $0x15600, s0;
	s24 =	smul.u32 $0x4E20, s12;
	s26 =	sshll.u32 s12, $0x6  }
0xa: {  	s28 =	smul.u32 $0x27800, s12;
	_ =	strace $0x8000004A;
	s22 =	sshll.u32 s6, $0x6  }
0xb: {  	[dreg:$0x5] =	wrdreg s8;
	s6 =	ssub.s32 $0x2, s6;
	s7 =	sor.u32 s22, s7  }
0xc: {  	s10 =	sshrl.u32 s6, $0x1;
	s23 =	sshrl.u32 s9, $0x2;
	s8 =	sor.u32 s22, s11  }
0xd: {  	s9 =	sadd.s32 $0x4E200, s24;
	s29 =	sshrl.u32 s24, $0x3;
	s13 =	sshrl.u32 s28, $0x2  }
0xe: {  	s22 =	simm.s32 $0x50;
	s24 =	simm.s32 $0x6860;
	s7 =	sshrl.u32 s7, $0x3  }
0xf: {  	s6 =	ssub.s32 s6, s10;
	s14 =	sadd.s32 s23, s1;
	s25 =	sshrl.u32 s8, $0x3  }
0x10: {  	s8 =	sor.u32 $0x1C04, s26;
	s30 =	sshrl.u32 s9, $0x3;
	s10 =	sadd.s32 s5, s29  }
0x11: {  	s31 =	sadd.s32 s13, s2;
	s23 =	simm.s32 $0x5460;
	s26 =	simm.s32 $0x0  }
0x12: {  	s0 =	sadd.s32 s7, s0;
	s3 =	sadd.s32 s3, s25;
	s11 =	sadd.s32 s5, s30  }
0x13: {  	s13 =	smax.u32 s6, $0x1;
	s14 =	sshrl.u32 s14, $0x3;
	s20 =	sshrl.u32 s31, $0x3  }
0x14: {  	s25 =	simm.s32 $0x2;
	[dreg:$0x6] =	wrdreg s3;
	s12 =	sadd.s32 $0x16A00, s0  }
.LBB2_1:
0x15: {  	s0 =	rddreg [dreg:$0x6]  }
0x16: {  	[spmem:s14@s16], [sflag:s8] =	dma.strided [hbm:s0@s17], $0x1388, s15, $0x8   }
0x17: {  	_ =	swait.ge [sflag:s18], $0x1388  }
0x18: {  	[sflag:s18] =	ssyncset.done $0x0  }
0x19: {  	[sflag:s18] =	ssyncadd.s32 $0xFFFFEC78  }
0x1a: {  	[tilespmem:s4], [sflag:$0x4] =	stream.linear.gather [hbm4b:s10+s4], $0x4E20, $0x38;
	[tilespmem:$0x1B6A0] =	vst v63  }
0x1b: {  	_ =	swait.ge [sflag:s18], $0x4E20  }
0x1c: {  	[sflag:s18] =	ssyncset.done $0x0  }
0x1d: {  	s3 =	simm.s32 $0x4E20;
	s6 =	rddreg [dreg:$0x5];
	[sflag:s18] =	ssyncadd.s32 $0xFFFFB1E0  }
0x1e: {  	[tilespmem:s3], [sflag:$0x3] =	stream.linear.gather [hbm4b:s11+s4], $0x320, $0x38;
	[tilespmem:$0x1B6A0] =	vst v63  }
0x1f: {  	[spmem:s20], [sflag:s8] =	dma.local [hbm:s6], $0x13C0  }
0x20: {  	_ =	swait.ge [sflag:s18], $0x13C0  }
0x21: {  	[sflag:s18] =	ssyncset.done $0x0  }
0x22: {  	s7 =	sand.u32 $0x1, s4;
	p0 =	por $0x0, $0x0;
	[sflag:s18] =	ssyncadd.s32 $0xFFFFEC40  }
0x23: {  	s3 =	sxor.u32 $0x1, s7;
	s6 =	simm.s32 $0x320;
	[bflag:$0x0] =	sbarrier.arrive $0xFFFF  }
0x24: {  	s3 =	smul.u32 $0xC80, s3;
	s6 =	simm.s32 @p0 $0x0;
	_ =	swait.ge [sflag:s21], $0x320  }
0x25: {  	s6 =	sadd.s32 s6, s9;
	[sflag:s21] =	ssyncset.done $0x0  }
0x26: {  	s3 =	sshrl.u32 s3, $0x2;
	s6 =	sshrl.u32 s6, $0x3;
	[sflag:s21] =	ssyncadd.s32 $0xFFFFFCE0  }
0x27: {  	[tilespmem:s23], [sflag:$0x1] =	stream.indirect.gather [spmem:s1], $0x40, s4, s22, $0xb8;
	[tilespmem:$0x1B6A0] =	vst v63  }
0x28: {  	s3 =	sadd.s32 $0x4E20, s3;
	s6 =	sadd.s32 s5, s6  }
0x29: {  	[tilespmem:s3], [sflag:$0x3] =	stream.linear.gather [hbm4b:s6+s4], $0x320, $0x38;
	[tilespmem:$0x1B6A0] =	vst v63  }
0x2a: {  	s19 =	simm.s32 $0x50;
	s0 =	smul.u32 $0xC80, s7  }
0x2b: {  	[tilespmem:s24], [sflag:$0x2] =	stream.indirect.gather [spmem:s1], $0x40, s19, s22, $0xb8;
	[tilespmem:$0x1B6A0] =	vst v63  }
0x2c: {  	_ =	swait.ge [sflag:s15], $0x1400  }
0x2d: {  	s3 =	sshrl.u32 s0, $0x2;
	[sflag:s15] =	ssyncset.done $0x0  }
0x2e: {  	s0 =	sadd.s32 $0x4E20, s3;
	[sflag:s15] =	ssyncadd.s32 $0xFFFFEC00  }
0x2f: {  	[spmem:s2] =	stream.indirect.scatter.add.f32 [tilespmem:s23], [sflag:$0x4], $0x40, s0, s22, $0xb8;
	[tilespmem:$0x1B6A0] =	vst v63  }
0x30: {  	_ =	swait.ge [sflag:s18], $0x1400  }
0x31: {  	[sflag:s18] =	ssyncset.done $0x0  }
0x32: {  	s6 =	simm.s32 $0xA0;
	[sflag:s18] =	ssyncadd.s32 $0xFFFFEC00  }
0x33: {  	[tilespmem:s23], [sflag:$0x1] =	stream.indirect.gather [spmem:s1], $0x40, s6, s22, $0xb8;
	[tilespmem:$0x1B6A0] =	vst v63  }
0x34: {  	_ =	swait.ge [sflag:s25], $0x1400  }
0x35: {  	[sflag:s25] =	ssyncset.done $0x0  }
0x36: {  	s7 =	sadd.s32 $0x4E70, s3;
	[sflag:s25] =	ssyncadd.s32 $0xFFFFEC00  }
0x37: {  	[spmem:s2] =	stream.indirect.scatter.add.f32 [tilespmem:s24], [sflag:$0x4], $0x40, s7, s22, $0xb8;
	[tilespmem:$0x1B6A0] =	vst v63  }
0x38: {  	_ =	swait.ge [sflag:s18], $0x1400  }
0x39: {  	[sflag:s18] =	ssyncset.done $0x0  }
0x3a: {  	s19 =	simm.s32 $0xF0;
	[sflag:s18] =	ssyncadd.s32 $0xFFFFEC00  }
0x3b: {  	[tilespmem:s24], [sflag:$0x2] =	stream.indirect.gather [spmem:s1], $0x40, s19, s22, $0xb8;
	[tilespmem:$0x1B6A0] =	vst v63  }
0x3c: {  	_ =	swait.ge [sflag:s15], $0x1400  }
0x3d: {  	[sflag:s15] =	ssyncset.done $0x0  }
0x3e: {  	s6 =	sadd.s32 $0x4EC0, s3;
	[sflag:s15] =	ssyncadd.s32 $0xFFFFEC00  }
0x3f: {  	[spmem:s2] =	stream.indirect.scatter.add.f32 [tilespmem:s23], [sflag:$0x4], $0x40, s6, s22, $0xb8;
	[tilespmem:$0x1B6A0] =	vst v63  }
0x40: {  	_ =	swait.ge [sflag:s18], $0x1400  }
0x41: {  	[sflag:s18] =	ssyncset.done $0x0  }
0x42: {  	s7 =	simm.s32 $0x140;
	[sflag:s18] =	ssyncadd.s32 $0xFFFFEC00  }
0x43: {  	[tilespmem:s23], [sflag:$0x1] =	stream.indirect.gather [spmem:s1], $0x40, s7, s22, $0xb8;
	[tilespmem:$0x1B6A0] =	vst v63  }
0x44: {  	_ =	swait.ge [sflag:s25], $0x1400  }
0x45: {  	[sflag:s25] =	ssyncset.done $0x0  }
0x46: {  	s19 =	sadd.s32 $0x4F10, s3;
	[sflag:s25] =	ssyncadd.s32 $0xFFFFEC00  }
0x47: {  	[spmem:s2] =	stream.indirect.scatter.add.f32 [tilespmem:s24], [sflag:$0x4], $0x40, s19, s22, $0xb8;
	[tilespmem:$0x1B6A0] =	vst v63  }
0x48: {  	_ =	swait.ge [sflag:s18], $0x1400  }
0x49: {  	[sflag:s18] =	ssyncset.done $0x0  }
0x4a: {  	s6 =	simm.s32 $0x190;
	[sflag:s18] =	ssyncadd.s32 $0xFFFFEC00  }
0x4b: {  	[tilespmem:s24], [sflag:$0x2] =	stream.indirect.gather [spmem:s1], $0x40, s6, s22, $0xb8;
	[tilespmem:$0x1B6A0] =	vst v63  }
0x4c: {  	_ =	swait.ge [sflag:s15], $0x1400  }
0x4d: {  	[sflag:s15] =	ssyncset.done $0x0  }
0x4e: {  	s7 =	sadd.s32 $0x4F60, s3;
	[sflag:s15] =	ssyncadd.s32 $0xFFFFEC00  }
0x4f: {  	[spmem:s2] =	stream.indirect.scatter.add.f32 [tilespmem:s23], [sflag:$0x4], $0x40, s7, s22, $0xb8;
	[tilespmem:$0x1B6A0] =	vst v63  }
0x50: {  	_ =	swait.ge [sflag:s18], $0x1400  }
0x51: {  	[sflag:s18] =	ssyncset.done $0x0  }
0x52: {  	s19 =	simm.s32 $0x1E0;
	[sflag:s18] =	ssyncadd.s32 $0xFFFFEC00  }
0x53: {  	[tilespmem:s23], [sflag:$0x1] =	stream.indirect.gather [spmem:s1], $0x40, s19, s22, $0xb8;
	[tilespmem:$0x1B6A0] =	vst v63  }
0x54: {  	_ =	swait.ge [sflag:s25], $0x1400  }
0x55: {  	[sflag:s25] =	ssyncset.done $0x0  }
0x56: {  	s6 =	sadd.s32 $0x4FB0, s3;
	[sflag:s25] =	ssyncadd.s32 $0xFFFFEC00  }
0x57: {  	[spmem:s2] =	stream.indirect.scatter.add.f32 [tilespmem:s24], [sflag:$0x4], $0x40, s6, s22, $0xb8;
	[tilespmem:$0x1B6A0] =	vst v63  }
0x58: {  	_ =	swait.ge [sflag:s18], $0x1400  }
0x59: {  	[sflag:s18] =	ssyncset.done $0x0  }
0x5a: {  	s7 =	simm.s32 $0x230;
	[sflag:s18] =	ssyncadd.s32 $0xFFFFEC00  }
0x5b: {  	[tilespmem:s24], [sflag:$0x2] =	stream.indirect.gather [spmem:s1], $0x40, s7, s22, $0xb8;
	[tilespmem:$0x1B6A0] =	vst v63  }
0x5c: {  	_ =	swait.ge [sflag:s15], $0x1400  }
0x5d: {  	[sflag:s15] =	ssyncset.done $0x0  }
0x5e: {  	s19 =	sor.u32 $0x5000, s3;
	[sflag:s15] =	ssyncadd.s32 $0xFFFFEC00  }
0x5f: {  	[spmem:s2] =	stream.indirect.scatter.add.f32 [tilespmem:s23], [sflag:$0x4], $0x40, s19, s22, $0xb8;
	[tilespmem:$0x1B6A0] =	vst v63  }
0x60: {  	_ =	swait.ge [sflag:s18], $0x1400  }
0x61: {  	[sflag:s18] =	ssyncset.done $0x0  }
0x62: {  	s6 =	simm.s32 $0x280;
	[sflag:s18] =	ssyncadd.s32 $0xFFFFEC00  }
0x63: {  	[tilespmem:s23], [sflag:$0x1] =	stream.indirect.gather [spmem:s1], $0x40, s6, s22, $0xb8;
	[tilespmem:$0x1B6A0] =	vst v63  }
0x64: {  	_ =	swait.ge [sflag:s25], $0x1400  }
0x65: {  	[sflag:s25] =	ssyncset.done $0x0  }
0x66: {  	s7 =	sadd.s32 $0x5050, s3;
	[sflag:s25] =	ssyncadd.s32 $0xFFFFEC00  }
0x67: {  	[spmem:s2] =	stream.indirect.scatter.add.f32 [tilespmem:s24], [sflag:$0x4], $0x40, s7, s22, $0xb8;
	[tilespmem:$0x1B6A0] =	vst v63  }
0x68: {  	_ =	swait.ge [sflag:s18], $0x1400  }
0x69: {  	[sflag:s18] =	ssyncset.done $0x0  }
0x6a: {  	s19 =	simm.s32 $0x2D0;
	[sflag:s18] =	ssyncadd.s32 $0xFFFFEC00  }
0x6b: {  	[tilespmem:s24], [sflag:$0x2] =	stream.indirect.gather [spmem:s1], $0x40, s19, s22, $0xb8;
	[tilespmem:$0x1B6A0] =	vst v63  }
0x6c: {  	_ =	swait.ge [sflag:s15], $0x1400  }
0x6d: {  	[sflag:s15] =	ssyncset.done $0x0  }
0x6e: {  	s6 =	sadd.s32 $0x50A0, s3;
	[sflag:s15] =	ssyncadd.s32 $0xFFFFEC00  }
0x6f: {  	[spmem:s2] =	stream.indirect.scatter.add.f32 [tilespmem:s23], [sflag:$0x4], $0x40, s6, s22, $0xb8;
	[tilespmem:$0x1B6A0] =	vst v63  }
0x70: {  	_ =	swait.ge [sflag:s18], $0x1400  }
0x71: {  	p0 =	por $0x1, $0x1;
	s0 =	simm.s32 $0x320;
	[sflag:s18] =	ssyncset.done $0x0  }
0x72: {  	s0 =	simm.s32 @!p0 $0x0;
	[sflag:s18] =	ssyncadd.s32 $0xFFFFEC00  }
0x73: {  	[tilespmem:s23], [sflag:$0x1] =	stream.indirect.gather [spmem:s1], $0x40, s0, s22, $0xb8;
	[tilespmem:$0x1B6A0] =	vst v63  }
0x74: {  	s31 =	simm.s32 $0x1900;
	s28 =	simm.s32 $0xA;
	_ =	swait.ge [sflag:s25], $0x1400  }
0x75: {  	s29 =	simm.s32 $0x640;
	s30 =	simm.s32 $0x320;
	[sflag:s25] =	ssyncset.done $0x0  }
0x76: {  	s3 =	sadd.s32 $0x50F0, s3;
	s0 =	simm.s32 $0x1;
	[sflag:s25] =	ssyncadd.s32 $0xFFFFEC00  }
0x77: {  	[spmem:s2] =	stream.indirect.scatter.add.f32 [tilespmem:s24], [sflag:$0x4], $0x40, s3, s22, $0xb8;
	[tilespmem:$0x1B6A0] =	vst v63  }
0x78: {  	p0 =	por $0x0, $0x0;
	s3 =	sand.u32 $0x1, s0;
	_ =	swait.ge [sflag:s18], $0x1400  }
0x79: {  	s19 =	simm.s32 $0x640;
	s7 =	sxor.u32 $0x1, s3;
	[sflag:s18] =	ssyncset.done $0x0  }
0x7a: {  	s19 =	simm.s32 @p0 $0x0;
	s6 =	smul.u32 $0xC80, s7;
	[sflag:s18] =	ssyncadd.s32 $0xFFFFEC00  }
0x7b: {  	s7 =	sadd.s32 s19, s9;
	s19 =	smul.u32 $0xC80, s3;
	_ =	swait.ge [sflag:s21], $0x320  }
0x7c: {  	s3 =	sshrl.u32 s6, $0x2;
	s6 =	sshrl.u32 s7, $0x3;
	[sflag:s21] =	ssyncset.done $0x0  }
.LBB2_2:
0x7d: {  	s7 =	sadd.s32 $0x4E20, s3  }
0x7e: {  	s6 =	sadd.s32 s5, s6;
	[sflag:s21] =	ssyncadd.s32 $0xFFFFFCE0;
	s3 =	smov.u32 s31  }
0x7f: {  	[tilespmem:s7], [sflag:$0x3] =	stream.linear.gather [hbm4b:s6+s4], $0x320, $0x38;
	[tilespmem:$0x1B6A0] =	vst v63  }
0x80: {  	p0 =	sne.s32 s31, $0x12C00;
	s31 =	sadd.s32 $0xC80, s31;
	s6 =	sadd.s32 $0x50, s30  }
0x81: {  	[tilespmem:s24], [sflag:$0x2] =	stream.indirect.gather [spmem:s1], $0x40, s6, s22, $0xb8;
	[tilespmem:$0x1B6A0] =	vst v63  }
0x82: {  	_ =	swait.ge [sflag:s15], $0x1400  }
0x83: {  	s19 =	sshrl.u32 s19, $0x2;
	[sflag:s15] =	ssyncset.done $0x0  }
0x84: {  	s6 =	sadd.s32 $0x4E20, s19;
	[sflag:s15] =	ssyncadd.s32 $0xFFFFEC00  }
0x85: {  	[spmem:s2] =	stream.indirect.scatter.add.f32 [tilespmem:s23], [sflag:$0x4], $0x40, s6, s22, $0xb8;
	[tilespmem:$0x1B6A0] =	vst v63  }
0x86: {  	_ =	swait.ge [sflag:s18], $0x1400  }
0x87: {  	[sflag:s18] =	ssyncset.done $0x0  }
0x88: {  	s6 =	sadd.s32 $0xA0, s30;
	[sflag:s18] =	ssyncadd.s32 $0xFFFFEC00  }
0x89: {  	[tilespmem:s23], [sflag:$0x1] =	stream.indirect.gather [spmem:s1], $0x40, s6, s22, $0xb8;
	[tilespmem:$0x1B6A0] =	vst v63  }
0x8a: {  	_ =	swait.ge [sflag:s25], $0x1400  }
0x8b: {  	[sflag:s25] =	ssyncset.done $0x0  }
0x8c: {  	s6 =	sadd.s32 $0x4E70, s19;
	[sflag:s25] =	ssyncadd.s32 $0xFFFFEC00  }
0x8d: {  	[spmem:s2] =	stream.indirect.scatter.add.f32 [tilespmem:s24], [sflag:$0x4], $0x40, s6, s22, $0xb8;
	[tilespmem:$0x1B6A0] =	vst v63  }
0x8e: {  	_ =	swait.ge [sflag:s18], $0x1400  }
0x8f: {  	[sflag:s18] =	ssyncset.done $0x0  }
0x90: {  	s6 =	sadd.s32 $0xF0, s30;
	[sflag:s18] =	ssyncadd.s32 $0xFFFFEC00  }
0x91: {  	[tilespmem:s24], [sflag:$0x2] =	stream.indirect.gather [spmem:s1], $0x40, s6, s22, $0xb8;
	[tilespmem:$0x1B6A0] =	vst v63  }
0x92: {  	_ =	swait.ge [sflag:s15], $0x1400  }
0x93: {  	[sflag:s15] =	ssyncset.done $0x0  }
0x94: {  	s6 =	sadd.s32 $0x4EC0, s19;
	[sflag:s15] =	ssyncadd.s32 $0xFFFFEC00  }
0x95: {  	[spmem:s2] =	stream.indirect.scatter.add.f32 [tilespmem:s23], [sflag:$0x4], $0x40, s6, s22, $0xb8;
	[tilespmem:$0x1B6A0] =	vst v63  }
0x96: {  	_ =	swait.ge [sflag:s18], $0x1400  }
0x97: {  	[sflag:s18] =	ssyncset.done $0x0  }
0x98: {  	s6 =	sadd.s32 $0x140, s30;
	[sflag:s18] =	ssyncadd.s32 $0xFFFFEC00  }
0x99: {  	[tilespmem:s23], [sflag:$0x1] =	stream.indirect.gather [spmem:s1], $0x40, s6, s22, $0xb8;
	[tilespmem:$0x1B6A0] =	vst v63  }
0x9a: {  	_ =	swait.ge [sflag:s25], $0x1400  }
0x9b: {  	[sflag:s25] =	ssyncset.done $0x0  }
0x9c: {  	s6 =	sadd.s32 $0x4F10, s19;
	[sflag:s25] =	ssyncadd.s32 $0xFFFFEC00  }
0x9d: {  	[spmem:s2] =	stream.indirect.scatter.add.f32 [tilespmem:s24], [sflag:$0x4], $0x40, s6, s22, $0xb8;
	[tilespmem:$0x1B6A0] =	vst v63  }
0x9e: {  	_ =	swait.ge [sflag:s18], $0x1400  }
0x9f: {  	[sflag:s18] =	ssyncset.done $0x0  }
0xa0: {  	s6 =	sadd.s32 $0x190, s30;
	[sflag:s18] =	ssyncadd.s32 $0xFFFFEC00  }
0xa1: {  	[tilespmem:s24], [sflag:$0x2] =	stream.indirect.gather [spmem:s1], $0x40, s6, s22, $0xb8;
	[tilespmem:$0x1B6A0] =	vst v63  }
0xa2: {  	_ =	swait.ge [sflag:s15], $0x1400  }
0xa3: {  	[sflag:s15] =	ssyncset.done $0x0  }
0xa4: {  	s6 =	sadd.s32 $0x4F60, s19;
	[sflag:s15] =	ssyncadd.s32 $0xFFFFEC00  }
0xa5: {  	[spmem:s2] =	stream.indirect.scatter.add.f32 [tilespmem:s23], [sflag:$0x4], $0x40, s6, s22, $0xb8;
	[tilespmem:$0x1B6A0] =	vst v63  }
0xa6: {  	_ =	swait.ge [sflag:s18], $0x1400  }
0xa7: {  	[sflag:s18] =	ssyncset.done $0x0  }
0xa8: {  	s6 =	sadd.s32 $0x1E0, s30;
	[sflag:s18] =	ssyncadd.s32 $0xFFFFEC00  }
0xa9: {  	[tilespmem:s23], [sflag:$0x1] =	stream.indirect.gather [spmem:s1], $0x40, s6, s22, $0xb8;
	[tilespmem:$0x1B6A0] =	vst v63  }
0xaa: {  	_ =	swait.ge [sflag:s25], $0x1400  }
0xab: {  	[sflag:s25] =	ssyncset.done $0x0  }
0xac: {  	s6 =	sadd.s32 $0x4FB0, s19;
	[sflag:s25] =	ssyncadd.s32 $0xFFFFEC00  }
0xad: {  	[spmem:s2] =	stream.indirect.scatter.add.f32 [tilespmem:s24], [sflag:$0x4], $0x40, s6, s22, $0xb8;
	[tilespmem:$0x1B6A0] =	vst v63  }
0xae: {  	_ =	swait.ge [sflag:s18], $0x1400  }
0xaf: {  	[sflag:s18] =	ssyncset.done $0x0  }
0xb0: {  	s6 =	sadd.s32 $0x230, s30;
	[sflag:s18] =	ssyncadd.s32 $0xFFFFEC00  }
0xb1: {  	[tilespmem:s24], [sflag:$0x2] =	stream.indirect.gather [spmem:s1], $0x40, s6, s22, $0xb8;
	[tilespmem:$0x1B6A0] =	vst v63  }
0xb2: {  	_ =	swait.ge [sflag:s15], $0x1400  }
0xb3: {  	[sflag:s15] =	ssyncset.done $0x0  }
0xb4: {  	s6 =	sor.u32 $0x5000, s19;
	[sflag:s15] =	ssyncadd.s32 $0xFFFFEC00  }
0xb5: {  	[spmem:s2] =	stream.indirect.scatter.add.f32 [tilespmem:s23], [sflag:$0x4], $0x40, s6, s22, $0xb8;
	[tilespmem:$0x1B6A0] =	vst v63  }
0xb6: {  	_ =	swait.ge [sflag:s18], $0x1400  }
0xb7: {  	[sflag:s18] =	ssyncset.done $0x0  }
0xb8: {  	s6 =	sadd.s32 $0x280, s30;
	[sflag:s18] =	ssyncadd.s32 $0xFFFFEC00  }
0xb9: {  	[tilespmem:s23], [sflag:$0x1] =	stream.indirect.gather [spmem:s1], $0x40, s6, s22, $0xb8;
	[tilespmem:$0x1B6A0] =	vst v63  }
0xba: {  	_ =	swait.ge [sflag:s25], $0x1400  }
0xbb: {  	[sflag:s25] =	ssyncset.done $0x0  }
0xbc: {  	s6 =	sadd.s32 $0x5050, s19;
	[sflag:s25] =	ssyncadd.s32 $0xFFFFEC00  }
0xbd: {  	[spmem:s2] =	stream.indirect.scatter.add.f32 [tilespmem:s24], [sflag:$0x4], $0x40, s6, s22, $0xb8;
	[tilespmem:$0x1B6A0] =	vst v63  }
0xbe: {  	_ =	swait.ge [sflag:s18], $0x1400  }
0xbf: {  	[sflag:s18] =	ssyncset.done $0x0  }
0xc0: {  	s6 =	sadd.s32 $0x2D0, s30;
	[sflag:s18] =	ssyncadd.s32 $0xFFFFEC00  }
0xc1: {  	[tilespmem:s24], [sflag:$0x2] =	stream.indirect.gather [spmem:s1], $0x40, s6, s22, $0xb8;
	[tilespmem:$0x1B6A0] =	vst v63  }
0xc2: {  	_ =	swait.ge [sflag:s15], $0x1400  }
0xc3: {  	[sflag:s15] =	ssyncset.done $0x0  }
0xc4: {  	s6 =	sadd.s32 $0x50A0, s19;
	[sflag:s15] =	ssyncadd.s32 $0xFFFFEC00  }
0xc5: {  	[spmem:s2] =	stream.indirect.scatter.add.f32 [tilespmem:s23], [sflag:$0x4], $0x40, s6, s22, $0xb8;
	[tilespmem:$0x1B6A0] =	vst v63  }
0xc6: {  	_ =	swait.ge [sflag:s18], $0x1400  }
0xc7: {  	p1 =	slt.u32 s28, $0xF0;
	s6 =	smov.u32 s29;
	[sflag:s18] =	ssyncset.done $0x0  }
0xc8: {  	s6 =	simm.s32 @!p1 $0x0;
	[sflag:s18] =	ssyncadd.s32 $0xFFFFEC00  }
0xc9: {  	[tilespmem:s23], [sflag:$0x1] =	stream.indirect.gather [spmem:s1], $0x40, s6, s22, $0xb8;
	[tilespmem:$0x1B6A0] =	vst v63  }
0xca: {  	s28 =	sadd.s32 $0xA, s28;
	s0 =	sadd.s32 $0x1, s0;
	_ =	swait.ge [sflag:s25], $0x1400  }
0xcb: {  	s30 =	sshra.s32 s3, $0x2;
	s29 =	sadd.s32 $0x320, s29;
	[sflag:s25] =	ssyncset.done $0x0  }
0xcc: {  	p1 =	seq.s32 s3, $0x12C00;
	s6 =	sadd.s32 $0x50F0, s19;
	[sflag:s25] =	ssyncadd.s32 $0xFFFFEC00  }
0xcd: {  	[spmem:s2] =	stream.indirect.scatter.add.f32 [tilespmem:s24], [sflag:$0x4], $0x40, s6, s22, $0xb8;
	[tilespmem:$0x1B6A0] =	vst v63  }
.Ltmp0:
0xce: {  	s6 =	sand.u32 $0x1, s0;
	_ =	swait.ge [sflag:s18], $0x1400;
	(pc) =	sbr.rel @p0 .LBB2_2-.Ltmp0, $4  }
0xcf: {  	s7 =	smov.u32 s29;
	s3 =	sxor.u32 $0x1, s6;
	[sflag:s18] =	ssyncset.done $0x0  }
0xd0: {  	s7 =	simm.s32 @p1 $0x0;
	s3 =	smul.u32 $0xC80, s3;
	[sflag:s18] =	ssyncadd.s32 $0xFFFFEC00  }
0xd1: {  	s7 =	sadd.s32 s7, s9;
	s19 =	smul.u32 $0xC80, s6;
	_ =	swait.ge [sflag:s21], $0x320  }
0xd2: {  	s6 =	sshrl.u32 s7, $0x3;
	s3 =	sshrl.u32 s3, $0x2;
	[sflag:s21] =	ssyncset.done $0x0  }
0xd3: {  	s0 =	sadd.s32 $0x4E20, s3;
	s31 =	sadd.s32 s5, s6;
	[sflag:s21] =	ssyncadd.s32 $0xFFFFFCE0  }
0xd4: {  	[tilespmem:s0], [sflag:$0x3] =	stream.linear.gather [hbm4b:s31+s4], $0x320, $0x38;
	[tilespmem:$0x1B6A0] =	vst v63  }
0xd5: {  	s3 =	sadd.s32 $0x50, s30  }
0xd6: {  	[tilespmem:s24], [sflag:$0x2] =	stream.indirect.gather [spmem:s1], $0x40, s3, s22, $0xb8;
	[tilespmem:$0x1B6A0] =	vst v63  }
0xd7: {  	_ =	swait.ge [sflag:s15], $0x1400  }
0xd8: {  	s0 =	sshrl.u32 s19, $0x2;
	[sflag:s15] =	ssyncset.done $0x0  }
0xd9: {  	s6 =	sadd.s32 $0x4E20, s0;
	[sflag:s15] =	ssyncadd.s32 $0xFFFFEC00  }
0xda: {  	[spmem:s2] =	stream.indirect.scatter.add.f32 [tilespmem:s23], [sflag:$0x4], $0x40, s6, s22, $0xb8;
	[tilespmem:$0x1B6A0] =	vst v63  }
0xdb: {  	_ =	swait.ge [sflag:s18], $0x1400  }
0xdc: {  	[sflag:s18] =	ssyncset.done $0x0  }
0xdd: {  	s7 =	sadd.s32 $0xA0, s30;
	[sflag:s18] =	ssyncadd.s32 $0xFFFFEC00  }
0xde: {  	[tilespmem:s23], [sflag:$0x1] =	stream.indirect.gather [spmem:s1], $0x40, s7, s22, $0xb8;
	[tilespmem:$0x1B6A0] =	vst v63  }
0xdf: {  	_ =	swait.ge [sflag:s25], $0x1400  }
0xe0: {  	[sflag:s25] =	ssyncset.done $0x0  }
0xe1: {  	s19 =	sadd.s32 $0x4E70, s0;
	[sflag:s25] =	ssyncadd.s32 $0xFFFFEC00  }
0xe2: {  	[spmem:s2] =	stream.indirect.scatter.add.f32 [tilespmem:s24], [sflag:$0x4], $0x40, s19, s22, $0xb8;
	[tilespmem:$0x1B6A0] =	vst v63  }
0xe3: {  	_ =	swait.ge [sflag:s18], $0x1400  }
0xe4: {  	[sflag:s18] =	ssyncset.done $0x0  }
0xe5: {  	s31 =	sadd.s32 $0xF0, s30;
	[sflag:s18] =	ssyncadd.s32 $0xFFFFEC00  }
0xe6: {  	[tilespmem:s24], [sflag:$0x2] =	stream.indirect.gather [spmem:s1], $0x40, s31, s22, $0xb8;
	[tilespmem:$0x1B6A0] =	vst v63  }
0xe7: {  	_ =	swait.ge [sflag:s15], $0x1400  }
0xe8: {  	[sflag:s15] =	ssyncset.done $0x0  }
0xe9: {  	s6 =	sadd.s32 $0x4EC0, s0;
	[sflag:s15] =	ssyncadd.s32 $0xFFFFEC00  }
0xea: {  	[spmem:s2] =	stream.indirect.scatter.add.f32 [tilespmem:s23], [sflag:$0x4], $0x40, s6, s22, $0xb8;
	[tilespmem:$0x1B6A0] =	vst v63  }
0xeb: {  	_ =	swait.ge [sflag:s18], $0x1400  }
0xec: {  	[sflag:s18] =	ssyncset.done $0x0  }
0xed: {  	s7 =	sadd.s32 $0x140, s30;
	[sflag:s18] =	ssyncadd.s32 $0xFFFFEC00  }
0xee: {  	[tilespmem:s23], [sflag:$0x1] =	stream.indirect.gather [spmem:s1], $0x40, s7, s22, $0xb8;
	[tilespmem:$0x1B6A0] =	vst v63  }
0xef: {  	_ =	swait.ge [sflag:s25], $0x1400  }
0xf0: {  	[sflag:s25] =	ssyncset.done $0x0  }
0xf1: {  	s19 =	sadd.s32 $0x4F10, s0;
	[sflag:s25] =	ssyncadd.s32 $0xFFFFEC00  }
0xf2: {  	[spmem:s2] =	stream.indirect.scatter.add.f32 [tilespmem:s24], [sflag:$0x4], $0x40, s19, s22, $0xb8;
	[tilespmem:$0x1B6A0] =	vst v63  }
0xf3: {  	_ =	swait.ge [sflag:s18], $0x1400  }
0xf4: {  	[sflag:s18] =	ssyncset.done $0x0  }
0xf5: {  	s31 =	sadd.s32 $0x190, s30;
	[sflag:s18] =	ssyncadd.s32 $0xFFFFEC00  }
0xf6: {  	[tilespmem:s24], [sflag:$0x2] =	stream.indirect.gather [spmem:s1], $0x40, s31, s22, $0xb8;
	[tilespmem:$0x1B6A0] =	vst v63  }
0xf7: {  	_ =	swait.ge [sflag:s15], $0x1400  }
0xf8: {  	[sflag:s15] =	ssyncset.done $0x0  }
0xf9: {  	s6 =	sadd.s32 $0x4F60, s0;
	[sflag:s15] =	ssyncadd.s32 $0xFFFFEC00  }
0xfa: {  	[spmem:s2] =	stream.indirect.scatter.add.f32 [tilespmem:s23], [sflag:$0x4], $0x40, s6, s22, $0xb8;
	[tilespmem:$0x1B6A0] =	vst v63  }
0xfb: {  	_ =	swait.ge [sflag:s18], $0x1400  }
0xfc: {  	[sflag:s18] =	ssyncset.done $0x0  }
0xfd: {  	s7 =	sadd.s32 $0x1E0, s30;
	[sflag:s18] =	ssyncadd.s32 $0xFFFFEC00  }
0xfe: {  	[tilespmem:s23], [sflag:$0x1] =	stream.indirect.gather [spmem:s1], $0x40, s7, s22, $0xb8;
	[tilespmem:$0x1B6A0] =	vst v63  }
0xff: {  	_ =	swait.ge [sflag:s25], $0x1400  }
0x100: {  	[sflag:s25] =	ssyncset.done $0x0  }
0x101: {  	s19 =	sadd.s32 $0x4FB0, s0;
	[sflag:s25] =	ssyncadd.s32 $0xFFFFEC00  }
0x102: {  	[spmem:s2] =	stream.indirect.scatter.add.f32 [tilespmem:s24], [sflag:$0x4], $0x40, s19, s22, $0xb8;
	[tilespmem:$0x1B6A0] =	vst v63  }
0x103: {  	_ =	swait.ge [sflag:s18], $0x1400  }
0x104: {  	[sflag:s18] =	ssyncset.done $0x0  }
0x105: {  	s31 =	sadd.s32 $0x230, s30;
	[sflag:s18] =	ssyncadd.s32 $0xFFFFEC00  }
0x106: {  	[tilespmem:s24], [sflag:$0x2] =	stream.indirect.gather [spmem:s1], $0x40, s31, s22, $0xb8;
	[tilespmem:$0x1B6A0] =	vst v63  }
0x107: {  	_ =	swait.ge [sflag:s15], $0x1400  }
0x108: {  	[sflag:s15] =	ssyncset.done $0x0  }
0x109: {  	s6 =	sor.u32 $0x5000, s0;
	[sflag:s15] =	ssyncadd.s32 $0xFFFFEC00  }
0x10a: {  	[spmem:s2] =	stream.indirect.scatter.add.f32 [tilespmem:s23], [sflag:$0x4], $0x40, s6, s22, $0xb8;
	[tilespmem:$0x1B6A0] =	vst v63  }
0x10b: {  	_ =	swait.ge [sflag:s18], $0x1400  }
0x10c: {  	[sflag:s18] =	ssyncset.done $0x0  }
0x10d: {  	s7 =	sadd.s32 $0x280, s30;
	[sflag:s18] =	ssyncadd.s32 $0xFFFFEC00  }
0x10e: {  	[tilespmem:s23], [sflag:$0x1] =	stream.indirect.gather [spmem:s1], $0x40, s7, s22, $0xb8;
	[tilespmem:$0x1B6A0] =	vst v63  }
0x10f: {  	_ =	swait.ge [sflag:s25], $0x1400  }
0x110: {  	[sflag:s25] =	ssyncset.done $0x0  }
0x111: {  	s19 =	sadd.s32 $0x5050, s0;
	[sflag:s25] =	ssyncadd.s32 $0xFFFFEC00  }
0x112: {  	[spmem:s2] =	stream.indirect.scatter.add.f32 [tilespmem:s24], [sflag:$0x4], $0x40, s19, s22, $0xb8;
	[tilespmem:$0x1B6A0] =	vst v63  }
0x113: {  	_ =	swait.ge [sflag:s18], $0x1400  }
0x114: {  	[sflag:s18] =	ssyncset.done $0x0  }
0x115: {  	s30 =	sadd.s32 $0x2D0, s30;
	[sflag:s18] =	ssyncadd.s32 $0xFFFFEC00  }
0x116: {  	[tilespmem:s24], [sflag:$0x2] =	stream.indirect.gather [spmem:s1], $0x40, s30, s22, $0xb8;
	[tilespmem:$0x1B6A0] =	vst v63  }
0x117: {  	_ =	swait.ge [sflag:s15], $0x1400  }
0x118: {  	[sflag:s15] =	ssyncset.done $0x0  }
0x119: {  	s31 =	sadd.s32 $0x50A0, s0;
	[sflag:s15] =	ssyncadd.s32 $0xFFFFEC00  }
0x11a: {  	[spmem:s2] =	stream.indirect.scatter.add.f32 [tilespmem:s23], [sflag:$0x4], $0x40, s31, s22, $0xb8;
	[tilespmem:$0x1B6A0] =	vst v63  }
0x11b: {  	_ =	swait.ge [sflag:s18], $0x1400  }
0x11c: {  	p0 =	slt.u32 s28, $0xF0;
	[sflag:s18] =	ssyncset.done $0x0  }
0x11d: {  	s29 =	simm.s32 @!p0 $0x0;
	[sflag:s18] =	ssyncadd.s32 $0xFFFFEC00  }
0x11e: {  	[tilespmem:s23], [sflag:$0x1] =	stream.indirect.gather [spmem:s1], $0x40, s29, s22, $0xb8;
	[tilespmem:$0x1B6A0] =	vst v63  }
0x11f: {  	_ =	swait.ge [sflag:s25], $0x1400  }
0x120: {  	[sflag:s25] =	ssyncset.done $0x0  }
0x121: {  	s0 =	sadd.s32 $0x50F0, s0;
	[sflag:s25] =	ssyncadd.s32 $0xFFFFEC00  }
0x122: {  	[spmem:s2] =	stream.indirect.scatter.add.f32 [tilespmem:s24], [sflag:$0x4], $0x40, s0, s22, $0xb8;
	[tilespmem:$0x1B6A0] =	vst v63  }
0x123: {  	_ =	swait.ge [sflag:s18], $0x1400  }
0x124: {  	[sflag:s18] =	ssyncset.done $0x0  }
0x125: {  	[sflag:s18] =	ssyncadd.s32 $0xFFFFEC00  }
0x126: {  	_ =	swait.ge [sflag:s21], $0x320  }
0x127: {  	[sflag:s21] =	ssyncset.done $0x0  }
0x128: {  	[sflag:s21] =	ssyncadd.s32 $0xFFFFFCE0  }
0x129: {  	_ =	swait.ge [sflag:s15], $0x1400  }
0x12a: {  	s26 =	sadd.s32 $0x1, s26;
	[sflag:s15] =	ssyncset.done $0x0  }
0x12b: {  	p0 =	sne.s32 s26, s13;
	[sflag:s15] =	ssyncadd.s32 $0xFFFFEC00  }
.Ltmp1:
0x12c: {  	[bflag:$0x0] =	sbarrier.arrive $0xFFFF;
	(pc) =	sbr.rel @p0 .LBB2_1-.Ltmp1, $4  }
0x12d: {  	[hbm:s12@s17], [sflag:s8] =	dma.strided [spmem:s20@s16], $0x13C0, s15, $0x8   }
0x12e: {  	_ =	swait.ge [sflag:s18], $0x13C0  }
0x12f: {  	[sflag:s18] =	ssyncset.done $0x0  }
0x130: {  	[sflag:s18] =	ssyncadd.s32 $0xFFFFEC40  }
0x131: {  	_ =	sfence.sel $0x180000  }
0x132: {  	[bflag:$0x0] =	sbarrier.arrive $0xFFFF  }
0x133: {  	_ =	strace $0x9000004A  }
0x134: {  	s0 =	stileid.u32;
	[bflag:$0x2] =	sbarrier.arrive $0xFFFF  }
0x135: {  	p0 =	sne.s32 s0, $0x0;
	s0 =	rddreg [dreg:$0x4]  }
0x136: {  	s0 =	sadd.s32 @!p0 $0x100000, s0  }
0x137: {  	[sflag:s0] =	ssyncadd.tile.s32 @!p0 $0x1;
	_ =	shalt  }
.Lfunc_end2:
_tile_overlayer_lowered:
.L_overlay_start_2:
0x138: {  	(tag) =	ssettag $0x2  }
0x139: {  	s0 =	rddreg [dreg:$0x0];
	s2 =	stileid.u32  }
0x13a: {  	s1 =	rddreg [dreg:$0x1];
	p0 =	sne.s32 s2, $0x0  }
0x13b: {  	s3 =	rddreg [dreg:$0x2];
	[bflag:$0x3] =	sbarrier.arrive $0xFFFF;
	s2 =	simm.s32 @!p0 $0x1C04  }
0x13c: {  	[timem:s3], [sflag:s2] =	dma.local @!p0 [hbm:s0], s1  }
0x13d: {  	s0 =	simm.s32 @!p0 $0x4  }
0x13e: {  	_ =	swait.ge @!p0 [sflag:s0], s1  }
0x13f: {  	s1 =	ssub.s32 @!p0 $0x0, s1;
	[sflag:s0] =	ssyncset.done @!p0 $0x0  }
0x140: {  	[sflag:s0] =	ssyncadd.s32 @!p0 s1  }
0x141: {  	[bflag:$0x3] =	sbarrier.arrive $0xFFFF  }
0x142: {  	_ =	shalt  }

// kernel: kernel.7.cloned.1.call-start
scs
__scs_entry_jumppad:
0x0: {  	(pc) =	sbr.rel $0x88, $3  }
0x1: {  	(tag) =	ssettag $0x0;
	lr =	simm.s32 $0x1  }
0x2: {  	[smem:$0x3F9D] =	sst lr;
	_ =	strace $0xD0000000  }
0x3: {  	_ = 	snop  }
0x4: {  	_ = 	snop  }
0x5: {  	_ = 	snop  }
0x6: {  	_ = 	snop  }
0x7: {  	_ = 	snop  }
__scs_overlays_trampoline_lowered:
0x8: {  	[smem:$0x3FAC] =	sst s0  }
0x9: {  	[smem:$0x3FAD] =	sst s1  }
0xa: {  	[smem:$0x3FAE] =	sst s2  }
0xb: {  	[smem:$0x3FAF] =	sst s3  }
0xc: {  	[smem:$0x3FB0] =	sst s4  }
0xd: {  	[smem:$0x3FB1] =	sst s5  }
0xe: {  	[smem:$0x3FB2] =	sst s6  }
0xf: {  	[smem:$0x3FB3] =	sst s7  }
0x10: {  	[smem:$0x3FB4] =	sst s8  }
0x11: {  	[smem:$0x3FB5] =	sst s9;
	s0 =	simm.s32 @!p0 $0x0  }
0x12: {  	s1 =	sld [smem:$0x3F9B];
	s0 =	simm.s32 @p0 $0x1  }
0x13: {  	[smem:$0x3FB6] =	sst s0;
	s0 =	simm.s32 @!p1 $0x0  }
0x14: {  	s2 =	sld [smem:$0x3F9A];
	s0 =	simm.s32 @p1 $0x1  }
0x15: {  	[smem:$0x3FB7] =	sst s0;
	s0 =	simm.s32 @!p2 $0x0  }
0x16: {  	s3 =	sld [smem:$0x3FDB];
	s0 =	simm.s32 @p2 $0x1  }
0x17: {  	s4 =	simm.s32 $0x1BF5;
	[smem:$0x3FB9] =	sst s0  }
0x18: {  	s0 =	sld [smem:$0x3F9C];
	_ =	swait.ge [sflag:s4], $0x0  }
0x19: {  	s7 =	sld [smem:$0x3F9D]  }
0x1a: {  	s8 =	sadd.s32 $0xFFFFE003, lr  }
0x1b: {  	s9 =	sadd.s32 $0xFFFFFEF7, lr;
	s5 =	simm.s32 $0xFFFFFFFF;
	p2 =	slt.u32 s8, $0xFFFFF086  }
0x1c: {  	p1 =	slt.u32 s9, $0xF7A;
	s5 =	simm.s32 @!p2 $0x0  }
0x1d: {  	s5 =	simm.s32 @p1 $0x1;
	p0 =	seq.s32 s7, s2  }
0x1e: {  	s7 =	smul.u32 @!p0 $0xF7A, s2;
	p2 =	seq.s32 @!p0 s5, $0x0  }
0x1f: {  	s9 =	smul.u32 $0xF7A, s1;
	s8 =	simm.s32 @!p0 $0x1BF5;
	p2 =	por !p2, p0  }
0x20: {  	[sflag:s8] =	ssyncset.s32 @!p0 $0xFFFFF086;
	s6 =	sadd.s32 @!p0 s3, s7;
	s7 =	simm.s32 @!p0 $0x108  }
0x21: {  	s3 =	sadd.s32 s3, s9;
	s6 =	sadd.s32 @!p0 $0x88, s6;
	s7 =	simm.s32 @p2 $0x1082  }
0x22: {  	[simem:s7], [sflag:s8] =	dma.local @!p0 [hbm:s6], $0xF7A  }
0x23: {  	s9 =	sor.u32 $0xD0000000, s2;
	s6 =	simm.s32 $0x108;
	_ =	swait.ge @!p0 [sflag:s8], $0x0  }
0x24: {  	s3 =	sadd.s32 $0x88, s3;
	s6 =	simm.s32 @!p1 $0x1082;
	[sflag:s4] =	ssyncset.s32 $0xFFFFF086  }
0x25: {  	[simem:s6], [sflag:s4] =	dma.local [hbm:s3], $0xF7A  }
0x26: {  	[smem:$0x3F9D] =	sst s1;
	(tag) =	ssettag s2;
	_ =	strace s9  }
0x27: {  	s1 =	sld [smem:$0x3FAD]  }
0x28: {  	s2 =	sld [smem:$0x3FAE]  }
0x29: {  	s4 =	sld [smem:$0x3FB0]  }
0x2a: {  	p0 =	seq.s32 s5, $0x0;
	s5 =	sld [smem:$0x3FB1]  }
0x2b: {  	s6 =	sld [smem:$0x3FB2]  }
0x2c: {  	s7 =	sld [smem:$0x3FB3]  }
0x2d: {  	s3 =	simm.s32 $0x108;
	s8 =	sld [smem:$0x3FB4]  }
0x2e: {  	s3 =	simm.s32 @!p0 $0x1082;
	s9 =	sld [smem:$0x3FB5]  }
0x2f: {  	lr =	sadd.s32 s0, s3;
	s0 =	sld [smem:$0x3FAC]  }
0x30: {  	s3 =	sld [smem:$0x3FAF]  }
0x31: {  	[smem:$0x3FB8] =	sst s10  }
0x32: {  	s10 =	sld [smem:$0x3FB6];
	_ =	sdelay $0x3  }
0x33: {  	p0 =	seq.s32 s10, $0x1;
	s10 =	sld [smem:$0x3FB8];
	_ =	sdelay $0x3  }
0x34: {  	[smem:$0x3FB8] =	sst s10  }
0x35: {  	s10 =	sld [smem:$0x3FB7];
	_ =	sdelay $0x3  }
0x36: {  	p1 =	seq.s32 s10, $0x1;
	s10 =	sld [smem:$0x3FB8];
	_ =	sdelay $0x3  }
0x37: {  	[smem:$0x3FB8] =	sst s10  }
0x38: {  	s10 =	sld [smem:$0x3FB9]  }
0x39: {  	_ = 	snop;
	(pc) =	sbr.ind lr, $3  }
0x3a: {  	_ = 	snop  }
0x3b: {  	_ = 	snop  }
0x3c: {  	p2 =	seq.s32 s10, $0x1;
	s10 =	sld [smem:$0x3FB8]  }
0x3d: {  	_ =	shalt  }
0x3e: {  	_ =	shalt  }
0x3f: {  	_ =	shalt  }
0x40: {  	_ =	shalt  }
0x41: {  	_ =	shalt  }
0x42: {  	_ =	shalt  }
0x43: {  	_ =	shalt  }
0x44: {  	_ =	shalt  }
0x45: {  	_ =	shalt  }
0x46: {  	_ =	shalt  }
0x47: {  	_ =	shalt  }
0x48: {  	_ =	shalt  }
0x49: {  	_ =	shalt  }
0x4a: {  	_ =	shalt  }
0x4b: {  	_ =	shalt  }
0x4c: {  	_ =	shalt  }
0x4d: {  	_ =	shalt  }
0x4e: {  	_ =	shalt  }
0x4f: {  	_ =	shalt  }
0x50: {  	_ =	shalt  }
0x51: {  	_ =	shalt  }
0x52: {  	_ =	shalt  }
0x53: {  	_ =	shalt  }
0x54: {  	_ =	shalt  }
0x55: {  	_ =	shalt  }
0x56: {  	_ =	shalt  }
0x57: {  	_ =	shalt  }
0x58: {  	_ =	shalt  }
0x59: {  	_ =	shalt  }
0x5a: {  	_ =	shalt  }
0x5b: {  	_ =	shalt  }
0x5c: {  	_ =	shalt  }
0x5d: {  	_ =	shalt  }
0x5e: {  	_ =	shalt  }
0x5f: {  	_ =	shalt  }
0x60: {  	_ =	shalt  }
0x61: {  	_ =	shalt  }
0x62: {  	_ =	shalt  }
0x63: {  	_ =	shalt  }
0x64: {  	_ =	shalt  }
0x65: {  	_ =	shalt  }
0x66: {  	_ =	shalt  }
0x67: {  	_ =	shalt  }
0x68: {  	_ =	shalt  }
0x69: {  	_ =	shalt  }
0x6a: {  	_ =	shalt  }
0x6b: {  	_ =	shalt  }
0x6c: {  	_ =	shalt  }
0x6d: {  	_ =	shalt  }
0x6e: {  	_ =	shalt  }
0x6f: {  	_ =	shalt  }
0x70: {  	_ =	shalt  }
0x71: {  	_ =	shalt  }
0x72: {  	_ =	shalt  }
0x73: {  	_ =	shalt  }
0x74: {  	_ =	shalt  }
0x75: {  	_ =	shalt  }
0x76: {  	_ =	shalt  }
0x77: {  	_ =	shalt  }
0x78: {  	_ =	shalt  }
0x79: {  	_ =	shalt  }
0x7a: {  	_ =	shalt  }
0x7b: {  	_ =	shalt  }
0x7c: {  	_ =	shalt  }
0x7d: {  	_ =	shalt  }
0x7e: {  	_ =	shalt  }
0x7f: {  	_ =	shalt  }
0x80: {  	_ =	shalt  }
0x81: {  	_ =	shalt  }
0x82: {  	_ =	shalt  }
0x83: {  	_ =	shalt  }
0x84: {  	_ =	shalt  }
0x85: {  	_ =	shalt  }
0x86: {  	_ =	shalt  }
0x87: {  	_ =	shalt  }
.Lfunc_end0:
.L_simem_size_0:
called_computation_lowered:
.L_overlay_start_0:
0x88: {  	s2 =	sld [smem:$0x3FD9]  }
0x89: {  	s3 =	sld [smem:$0x3FFE];
	_ =	sdelay $0x1  }
0x8a: {  	s1 =	srdreg.scid  }
0x8b: {  	s0 =	sand.u32 $0x1, s1  }
0x8c: {  	s17 =	sshll.u32 s0, $0xA;
	s2 =	sadd.s32 s3, s2  }
0x8d: {  	s2 =	sadd.s32 s2, s17  }
0x8e: {  	[smem:$0x3FC4] =	sst s2  }
0x8f: {  	_ = 	snop  }
0x90: {  	s2 =	sld [smem:$0x3FD0];
	(tm) =	ssettm $0x1  }
0x91: {  	s18 =	sld [smem:$0x3FFB];
	_ =	sdelay $0x3  }
0x92: {  	_ =	strace s18  }
0x93: {  	s3 =	sld [smem:$0x3FFC];
	_ =	sdelay $0x3  }
0x94: {  	_ =	strace s3  }
0x95: {  	s3 =	sld [smem:$0x3FFD];
	_ =	sdelay $0x3  }
0x96: {  	_ =	strace s3  }
0x97: {  	_ =	strace $0x8FFFFFFF  }
0x98: {  	s19 =	sld [smem:$0x3FDB];
	_ =	sdelay $0x1  }
0x99: {  	s4 =	simm.s32 $_scs_section_size  }
0x9a: {  	s5 =	simm.s32 $_size__tile_overlayer_lowered;
	s6 =	simm.s32 $_tile_overlayer_lowered  }
0x9b: {  	s22 =	simm.s32 $0x1BFF;
	s21 =	sshll.u32 s6, $0x1;
	s3 =	sadd.s32 s4, s19  }
0x9c: {  	s7 =	simm.s32 $0x0;
	s20 =	sshll.u32 s5, $0x1;
	s5 =	sadd.s32 s21, s3  }
0x9d: {  	[timem:s7], [sflag:s22] =	dma.local [hbm:s5], s20  }
0x9e: {  	_ =	swait.ge [sflag:s22], s20  }
0x9f: {  	s4 =	ssub.s32 $0x0, s20;
	[sflag:s22] =	ssyncset.done $0x0  }
0xa0: {  	[sflag:s22] =	ssyncadd.s32 s4;
	_ =	sdelay $0x1  }
0xa1: {  	s23 =	simm.s32 $0x1B8B  }
0xa2: {  	_ =	swait.ge [sflag:s23], $0x1  }
0xa3: {  	[sflag:s23] =	ssyncset.done $0x0  }
0xa4: {  	s25 =	simm.s32 $0x1B8E;
	s24 =	sld [smem:$0x3FFE];
	[sflag:s23] =	ssyncadd.s32 $0xFFFFFFFF  }
0xa5: {  	s26 =	simm.s32 $execute0_lowered;
	[smem:$0x3FD2] =	sst s25  }
0xa6: {  	s5 =	sshll.u32 s26, $0x1;
	_ =	strace $0x80000046;
	[dreg:$0x1] =	wrdreg $0xFFFFFFFF  }
0xa7: {  	s28 =	simm.s32 $_size_execute0_lowered;
	s3 =	sadd.s32 s3, s5;
	[dreg:$0x0] =	wrdreg $0x0  }
0xa8: {  	s5 =	sshll.u32 s28, $0x1;
	[dreg:$0x2] =	wrdreg s3  }
0xa9: {  	[dreg:$0x3] =	wrdreg s5  }
0xaa: {  	[dreg:$0x4] =	wrdreg $0xC0  }
0xab: {  	_ =	task [dreg:s7], $0x5FFFF  }
0xac: {  	[dreg:$0x1] =	wrdreg $0xFFFFFFFF  }
0xad: {  	[dreg:$0x0] =	wrdreg $0x60  }
0xae: {  	[dreg:$0x2] =	wrdreg s24  }
0xaf: {  	[dreg:$0x3] =	wrdreg s2  }
0xb0: {  	[dreg:$0x4] =	wrdreg $0x29900  }
0xb1: {  	[dreg:$0x5] =	wrdreg $0x9  }
0xb2: {  	_ =	task.clear_ibuf [dreg:s7], $0x6FFFF;
	_ =	strace $0x90000046  }
0xb3: {  	s29 =	simm.s32 $0x9;
	_ =	strace $0x80000048  }
0xb4: {  	_ =	swait.ge [sflag:s29], $0x1  }
0xb5: {  	[sflag:s29] =	ssyncadd.s32 $0xFFFFFFFF  }
0xb6: {  	_ =	strace $0x90000048  }
0xb7: {  	_ =	sfence  }
0xb8: {  	s30 =	sld [smem:$0x0];
	_ =	sdelay $0x2  }
0xb9: {  	s31 =	sshll.u32 s1, $0xD;
	s1 =	sshrl.u32 s1, $0x2  }
0xba: {  	s3 =	sand.u32 $0x4000, s31;
	s1 =	sadd.s32 s1, s30  }
0xbb: {  	s0 =	sor.u32 s3, s0;
	s1 =	sshll.u32 s1, $0x11  }
0xbc: {  	s0 =	sor.u32 s1, s0  }
0xbd: {  	s0 =	sadd.s32 $0x8F2B, s0  }
0xbe: {  	[sflag:s0] =	ssyncadd.remote.s32 $0x1  }
0xbf: {  	_ =	sfence.sel $0xFFFF  }
0xc0: {  	[dreg:$0x0] =	wrdreg $0xFFFFFFFF;
	(pc) =	sbr.abs _section_cstart, $3  }
0xc1: {  	[dreg:$0x1] =	wrdreg $0xFFFFFFFF  }
0xc2: {  	_ =	task.clear_ibuf [dreg:s7], $0x2FFFF;
	_ =	strace $0x9FFFFFFF  }
0xc3: {  	(tm) =	ssettm $0x7FFFFFFF  }
tec
execute0_lowered:
.L_overlay_start_1:
0x0: {  	(tag) =	ssettag $0x1  }
0x1: {  	s6 =	rddreg [dreg:$0x0]  }
0x2: {  	s2 =	rddreg [dreg:$0x1]  }
0x3: {  	s3 =	rddreg [dreg:$0x2]  }
0x4: {  	s0 =	rddreg [dreg:$0x3]  }
0x5: {  	s5 =	srdreg.scid;
	s1 =	stileid.u32;
	s4 =	simm.s32 $0x0  }
0x6: {  	s13 =	simm.s32 $0x50;
	s14 =	simm.s32 $0x1;
	s8 =	smul.u32 $0x4E20, s1  }
0x7: {  	s15 =	simm.s32 $0x10;
	s16 =	simm.s32 $0x0;
	s28 =	smul.u32 $0x4F00, s1  }
0x8: {  	s7 =	sand.u32 $0x1, s5;
	[smem:$0x7FF] =	sst s4;
	s12 =	smul.u32 $0x2780, s1  }
0x9: {  	s5 =	sadd.s32 $0x15600, s6;
	s31 =	sshll.u32 s1, $0x6;
	s9 =	smul.u32 $0x2710, s7  }
0xa: {  	_ =	strace $0x80000047;
	s10 =	ssub.s32 $0x2, s7;
	s7 =	sadd.s32 s7, s6  }
0xb: {  	s11 =	sshrl.u32 s10, $0x1;
	s29 =	sshrl.u32 s28, $0x2;
	s7 =	sadd.s32 s12, s7  }
0xc: {  	s8 =	sadd.s32 s8, s9;
	s10 =	ssub.s32 s10, s11;
	s30 =	sadd.s32 s29, s3  }
0xd: {  	s7 =	sadd.s32 $0x15800, s7;
	s9 =	simm.s32 $0x2;
	s8 =	sshrl.u32 s8, $0x3  }
0xe: {  	s11 =	sor.u32 $0x1C02, s31;
	s12 =	sshrl.u32 s30, $0x3;
	s6 =	sadd.s32 s6, s8  }
0xf: {  	s8 =	smax.u32 s10, $0x1;
	s10 =	simm.s32 $0x2710;
	s6 =	sadd.s32 $0xB840, s6  }
.LBB2_1:
0x10: {  	[tilespmem:s4], [sflag:$0x2] =	stream.linear.gather [hbm4b:s6+s4], $0x2710, $0x38;
	[tilespmem:$0x3D50] =	vst v63  }
0x11: {  	_ =	swait.ge [sflag:s9], $0x2710  }
0x12: {  	[sflag:s9] =	ssyncset.done $0x0  }
0x13: {  	[sflag:s9] =	ssyncadd.s32 $0xFFFFD8F0  }
0x14: {  	[tilespmem:s10], [sflag:$0x2] =	stream.linear.gather [hbm4b:s5+s4], $0x280, $0x38;
	[tilespmem:$0x3D50] =	vst v63  }
0x15: {  	_ =	swait.ge [sflag:s9], $0x280  }
0x16: {  	[sflag:s9] =	ssyncset.done $0x0  }
0x17: {  	[sflag:s9] =	ssyncadd.s32 $0xFFFFFD80  }
0x18: {  	[spmem:s12], [sflag:s11] =	dma.local [hbm:s2], $0x278  }
0x19: {  	_ =	swait.ge [sflag:s9], $0x278  }
0x1a: {  	[sflag:s9] =	ssyncset.done $0x0  }
0x1b: {  	[sflag:s9] =	ssyncadd.s32 $0xFFFFFD88  }
0x1c: {  	[bflag:$0x0] =	sbarrier.arrive $0xFFFF  }
0x1d: {  	[spmem:s3] =	stream.indirect.scatter.add.f32 [tilespmem:s10], [sflag:$0x1], $0x8, s4, s13, $0xb8;
	[tilespmem:$0x3D50] =	vst v63  }
0x1e: {  	s17 =	simm.s32 $0x50  }
0x1f: {  	[spmem:s3] =	stream.indirect.scatter.add.f32 [tilespmem:s10], [sflag:$0x1], $0x8, s17, s13, $0xb8;
	[tilespmem:$0x3D50] =	vst v63  }
0x20: {  	_ =	swait.ge [sflag:s14], $0x280  }
0x21: {  	s17 =	simm.s32 $0x280;
	[sflag:s14] =	ssyncset.done $0x0  }
.LBB2_2:
0x22: {  	s18 =	sshra.s32 s17, $0x2;
	[sflag:s14] =	ssyncadd.s32 $0xFFFFFD80;
	p0 =	sne.s32 s17, $0x9B00  }
0x23: {  	[spmem:s3] =	stream.indirect.scatter.add.f32 [tilespmem:s10], [sflag:$0x1], $0x8, s18, s13, $0xb8;
	[tilespmem:$0x3D50] =	vst v63  }
.Ltmp0:
0x24: {  	_ = 	snop;
	(pc) =	sbr.rel @p0 .LBB2_2-.Ltmp0, $4  }
0x25: {  	_ = 	snop  }
0x26: {  	s17 =	sadd.s32 $0x140, s17  }
0x27: {  	_ =	swait.ge [sflag:s14], $0x280  }
0x28: {  	[sflag:s14] =	ssyncset.done $0x0  }
0x29: {  	[sflag:s14] =	ssyncadd.s32 $0xFFFFFD80  }
0x2a: {  	_ =	swait.ge [sflag:s14], $0x280  }
0x2b: {  	s16 =	sadd.s32 $0x1, s16;
	[sflag:s14] =	ssyncset.done $0x0  }
0x2c: {  	p0 =	sne.s32 s16, s8;
	[sflag:s14] =	ssyncadd.s32 $0xFFFFFD80  }
.Ltmp1:
0x2d: {  	[bflag:$0x0] =	sbarrier.arrive $0xFFFF;
	(pc) =	sbr.rel @p0 .LBB2_1-.Ltmp1, $4  }
0x2e: {  	[hbm:s7@s15], [sflag:s11] =	dma.strided [spmem:s12@s14], $0x278, s14, $0x1   }
0x2f: {  	_ =	swait.ge [sflag:s9], $0x278  }
0x30: {  	[sflag:s9] =	ssyncset.done $0x0  }
0x31: {  	[sflag:s9] =	ssyncadd.s32 $0xFFFFFD88  }
0x32: {  	_ =	sfence.sel $0x180000  }
0x33: {  	[bflag:$0x0] =	sbarrier.arrive $0xFFFF  }
0x34: {  	p0 =	sne.s32 s1, $0x0;
	_ =	strace $0x90000047  }
0x35: {  	s0 =	sadd.s32 @!p0 $0x100000, s0;
	[bflag:$0x2] =	sbarrier.arrive $0xFFFF  }
0x36: {  	[sflag:s0] =	ssyncadd.tile.s32 @!p0 $0x1;
	_ =	shalt  }
.Lfunc_end2:
_tile_overlayer_lowered:
.L_overlay_start_2:
0x37: {  	(tag) =	ssettag $0x2  }
0x38: {  	s0 =	rddreg [dreg:$0x0];
	s2 =	stileid.u32  }
0x39: {  	s1 =	rddreg [dreg:$0x1];
	p0 =	sne.s32 s2, $0x0  }
0x3a: {  	s3 =	rddreg [dreg:$0x2];
	[bflag:$0x3] =	sbarrier.arrive $0xFFFF;
	s2 =	simm.s32 @!p0 $0x1C02  }
0x3b: {  	[timem:s3], [sflag:s2] =	dma.local @!p0 [hbm:s0], s1  }
0x3c: {  	s0 =	simm.s32 @!p0 $0x2  }
0x3d: {  	_ =	swait.ge @!p0 [sflag:s0], s1  }
0x3e: {  	s1 =	ssub.s32 @!p0 $0x0, s1;
	[sflag:s0] =	ssyncset.done @!p0 $0x0  }
0x3f: {  	[sflag:s0] =	ssyncadd.s32 @!p0 s1  }
0x40: {  	[bflag:$0x3] =	sbarrier.arrive $0xFFFF  }
0x41: {  	_ =	shalt  }

</sc_bundles>
